<compile_context>
chip_gen: v7x
topology: tpu7x:2x2x1
jax: 0.10.2.dev20260603
libtpu: 0.0.44.dev20260713+nightly
codegen_flags: <defaults>
</compile_context>

<pallas_src>
import functools

import jax
import jax.numpy as jnp
from jax import lax
from jax.experimental import pallas as pl
from jax.experimental.pallas import tpu as pltpu
from jax.experimental.pallas import tpu_sc as plsc

DECIM = 3
LANES = 16

B = 16
N_IN = 480000
N_OUT = 160000

NUM_CORES = 2
NUM_SUBCORES = 16
NUM_WORKERS = NUM_CORES * NUM_SUBCORES

HALVES = NUM_WORKERS // B
OUT_PER_WORKER = N_OUT // HALVES
IN_PER_WORKER = OUT_PER_WORKER * DECIM

NO_CHUNK = 16000
NI_CHUNK = NO_CHUNK * DECIM
OUT_CHUNKS = (3200, 12800, 16000, 16000, 16000, 12800, 3200)
NBUF = 2
UNROLL = 8


def _body(wav_hbm, out_hbm, in_buf0, in_buf1, out_buf0, out_buf1, sem_in0,
          sem_in1, sem_out0, sem_out1):
    wid = lax.axis_index("s") * NUM_CORES + lax.axis_index("c")
    row = wid // HALVES
    half = wid % HALVES
    idx0 = lax.iota(jnp.int32, LANES) * DECIM
    in_bufs = (in_buf0, in_buf1)
    out_bufs = (out_buf0, out_buf1)
    sems_in = (sem_in0, sem_in1)
    sems_out = (sem_out0, sem_out1)
    out_offs = [0]
    for n in OUT_CHUNKS:
        out_offs.append(out_offs[-1] + n)
    num_chunks = len(OUT_CHUNKS)

    def in_copy(k, slot):
        src = wav_hbm.at[row, pl.ds(half * IN_PER_WORKER +
                                    out_offs[k] * DECIM,
                                    OUT_CHUNKS[k] * DECIM)]
        dst = in_bufs[slot].at[pl.ds(0, OUT_CHUNKS[k] * DECIM)]
        return pltpu.make_async_copy(src, dst, sems_in[slot])

    def out_copy(k, slot):
        dst = out_hbm.at[row, pl.ds(half * OUT_PER_WORKER + out_offs[k],
                                    OUT_CHUNKS[k])]
        src = out_bufs[slot].at[pl.ds(0, OUT_CHUNKS[k])]
        return pltpu.make_async_copy(src, dst, sems_out[slot])

    pending_out = [None] * NBUF
    for k in range(min(NBUF - 1, num_chunks)):
        in_copy(k, k % NBUF).start()
    for k in range(num_chunks):
        slot = k % NBUF
        if k + NBUF - 1 < num_chunks:
            in_copy(k + NBUF - 1, (k + NBUF - 1) % NBUF).start()
        in_copy(k, slot).wait()
        if pending_out[slot] is not None:
            pending_out[slot].wait()
        in_ref = in_bufs[slot]
        out_ref = out_bufs[slot]

        @plsc.parallel_loop(0, OUT_CHUNKS[k] // LANES, unroll=UNROLL)
        def _(j):
            idx = idx0 + j * (LANES * DECIM)
            out_ref[pl.ds(j * LANES, LANES)] = plsc.load_gather(in_ref, [idx])

        oc = out_copy(k, slot)
        oc.start()
        pending_out[slot] = oc
    for oc in pending_out:
        if oc is not None:
            oc.wait()


@jax.jit
def kernel(wav):
    wav = wav.reshape(wav.shape[0], -1)
    assert wav.shape == (B, N_IN), wav.shape
    mesh = plsc.VectorSubcoreMesh(core_axis_name="c", subcore_axis_name="s")
    run = functools.partial(
        pl.kernel,
        mesh=mesh,
        out_type=jax.ShapeDtypeStruct((B, N_OUT), jnp.float32),
        scratch_types=[
            pltpu.VMEM((NI_CHUNK,), jnp.float32),
            pltpu.VMEM((NI_CHUNK,), jnp.float32),
            pltpu.VMEM((NO_CHUNK,), jnp.float32),
            pltpu.VMEM((NO_CHUNK,), jnp.float32),
            pltpu.SemaphoreType.DMA,
            pltpu.SemaphoreType.DMA,
            pltpu.SemaphoreType.DMA,
            pltpu.SemaphoreType.DMA,
        ],
        compiler_params=pltpu.CompilerParams(
            needs_layout_passes=False,
            disable_bounds_checks=True,
            disable_semaphore_checks=True,
            skip_device_barrier=True,
        ),
    )(_body)
    return run(wav)

# --- scband reference (transcript-rebuilt; emitter-appended) ---
"""Pipeline reference for scband-change-sample-rate-4758823764171 (READ-ONLY COPY).

The authoritative reference and input builder live on the scoring server;
editing this copy changes nothing except your own understanding.
"""

import jax, jax.numpy as jnp
import numpy as np

INPUT_RATE = 48000
OUTPUT_RATE = 16000


def setup_inputs(seed: int = 0) -> dict:
    key = jax.random.key(seed)
    wav = jax.random.normal(key, (16, 480000), dtype=jnp.float32)
    return {"wav": wav}


def reference(wav):
    wav = wav.reshape(wav.shape[0], -1)
    n = wav.shape[-1]
    new_length = n * OUTPUT_RATE // INPUT_RATE
    indices = jnp.arange(new_length, dtype=jnp.float32) * (INPUT_RATE / OUTPUT_RATE)
    idx = indices.astype(jnp.int32)
    round_down = wav[:, idx]
    round_up = wav[:, jnp.clip(idx + 1, 0, n - 1)]
    frac = jnp.mod(indices, 1.0)
    output = round_down * (1.0 - frac)[None, :] + round_up * frac[None, :]
    return output

if __name__ == "__main__":
    import jax
    _d = setup_inputs()
    print(jax.jit(kernel)(*tuple(_d.values())))

</pallas_src>

<mosaic_0001>
#map = affine_map<(d0, d1) -> (0, 0)>
module attributes {stable_mosaic.version = 14 : i64} {
  func.func @_body(%arg0: i32, %arg1: i32, %arg2: memref<16x480000xf32, #tpu.memory_space<hbm>>, %arg3: memref<16x160000xf32, #tpu.memory_space<hbm>>, %arg4: memref<48000xf32, #tpu.memory_space<vmem>>, %arg5: memref<48000xf32, #tpu.memory_space<vmem>>, %arg6: memref<16000xf32, #tpu.memory_space<vmem>>, %arg7: memref<16000xf32, #tpu.memory_space<vmem>>, %arg8: memref<!tpu.dma_semaphore, #tpu.memory_space<semaphore_mem>>, %arg9: memref<!tpu.dma_semaphore, #tpu.memory_space<semaphore_mem>>, %arg10: memref<!tpu.dma_semaphore, #tpu.memory_space<semaphore_mem>>, %arg11: memref<!tpu.dma_semaphore, #tpu.memory_space<semaphore_mem>>) attributes {dimension_semantics = [#tpu.dimension_semantics<core_parallel>, #tpu.dimension_semantics<subcore_parallel>], iteration_bounds = array<i64: 2, 16>, scalar_prefetch = 0 : i64, scratch_operands = 8 : i64, tpu.core_type = #tpu.core_type<sc_vector_subcore>, window_params = [{transform_indices = #map}, {transform_indices = #map}]} {
    %mul3A = arith.constant 2 : i32
    %mul3A_0 = arith.muli %arg1, %mul3A : i32
    %add3A = arith.addi %mul3A_0, %arg0 : i32
    %jit3A = arith.constant 2 : i32
    %div3A = arith.divsi %add3A, %jit3A : i32
    %sign3A = arith.constant 0 : i32
    %sign3A_1 = arith.cmpi sgt, %add3A, %sign3A : i32
    %sign3A_2 = arith.extui %sign3A_1 : i1 to i32
    %sign3A_3 = arith.constant 0 : i32
    %sign3A_4 = arith.cmpi slt, %add3A, %sign3A_3 : i32
    %sign3A_5 = arith.extui %sign3A_4 : i1 to i32
    %sign3A_6 = arith.subi %sign3A_2, %sign3A_5 : i32
    %sign3A_7 = arith.constant 0 : i32
    %sign3A_8 = arith.cmpi sgt, %jit3A, %sign3A_7 : i32
    %sign3A_9 = arith.extui %sign3A_8 : i1 to i32
    %sign3A_10 = arith.constant 0 : i32
    %sign3A_11 = arith.cmpi slt, %jit3A, %sign3A_10 : i32
    %sign3A_12 = arith.extui %sign3A_11 : i1 to i32
    %sign3A_13 = arith.subi %sign3A_9, %sign3A_12 : i32
    %ne3A = arith.cmpi ne, %sign3A_6, %sign3A_13 : i32
    %rem3A = arith.remsi %add3A, %jit3A : i32
    %ne3A_14 = arith.constant 0 : i32
    %ne3A_15 = arith.cmpi ne, %rem3A, %ne3A_14 : i32
    %and3A = arith.andi %ne3A, %ne3A_15 : i1
    %sub3A = arith.constant 1 : i32
    %sub3A_16 = arith.subi %div3A, %sub3A : i32
    %select_n3A = arith.select %and3A, %sub3A_16, %div3A : i32
    %jit3A_17 = arith.constant 2 : i32
    %eq3A = arith.constant 0 : i32
    %eq3A_18 = arith.cmpi eq, %jit3A_17, %eq3A : i32
    %jit3A_19 = arith.constant 1 : i32
    %select_n3A_20 = arith.select %eq3A_18, %jit3A_19, %jit3A_17 : i32
    %rem3A_21 = arith.remsi %add3A, %select_n3A_20 : i32
    %ne3A_22 = arith.constant 0 : i32
    %ne3A_23 = arith.cmpi ne, %rem3A_21, %ne3A_22 : i32
    %lt3A = arith.constant 0 : i32
    %lt3A_24 = arith.cmpi slt, %rem3A_21, %lt3A : i32
    %lt3A_25 = arith.constant 0 : i32
    %lt3A_26 = arith.cmpi slt, %select_n3A_20, %lt3A_25 : i32
    %ne3A_27 = arith.xori %lt3A_24, %lt3A_26 : i1
    %and3A_28 = arith.andi %ne3A_27, %ne3A_23 : i1
    %add3A_29 = arith.addi %rem3A_21, %select_n3A_20 : i32
    %select_n3A_30 = arith.select %and3A_28, %add3A_29, %rem3A_21 : i32
    %iota3A = tpu.iota {dimensions = array<i32: 0>} : vector<16xi32>
    %mul3A_31 = arith.constant 3 : i32
    %mul3A_32 = vector.broadcast %mul3A_31 : i32 to vector<16xi32>
    %mul3A_33 = arith.muli %iota3A, %mul3A_32 : vector<16xi32>
    %mul3A_34 = arith.constant 240000 : i32
    %mul3A_35 = arith.muli %select_n3A_30, %mul3A_34 : i32
    %add3A_36 = arith.constant 0 : i32
    %add3A_37 = arith.addi %mul3A_35, %add3A_36 : i32
    %dma_start3A = arith.constant 0 : i32
    %dma_start3A_38 = tpu.memref_slice %arg4[%dma_start3A] : memref<48000xf32, #tpu.memory_space<vmem>> -> memref<9600xf32, #tpu.memory_space<vmem>>
    %dma_start3A_39 = tpu.memref_slice %arg2[%select_n3A, %add3A_37] : memref<16x480000xf32, #tpu.memory_space<hbm>> -> memref<1x9600xf32, #tpu.memory_space<hbm>>
    %dma_start3A_40 = tpu.memref_squeeze %dma_start3A_39 : memref<1x9600xf32, #tpu.memory_space<hbm>> -> memref<9600xf32, #tpu.memory_space<hbm>>
    %dma_start3A_41 = arith.constant 0 : i32
    %dma_start3A_42 = tpu.memref_slice %arg4[%dma_start3A_41] : memref<48000xf32, #tpu.memory_space<vmem>> -> memref<9600xf32, #tpu.memory_space<vmem>>
    %dma_start3A_43 = tpu.memref_slice %arg2[%select_n3A, %add3A_37] : memref<16x480000xf32, #tpu.memory_space<hbm>> -> memref<1x9600xf32, #tpu.memory_space<hbm>>
    %dma_start3A_44 = tpu.memref_squeeze %dma_start3A_43 : memref<1x9600xf32, #tpu.memory_space<hbm>> -> memref<9600xf32, #tpu.memory_space<hbm>>
    tpu.enqueue_dma source(%dma_start3A_44 : memref<9600xf32, #tpu.memory_space<hbm>>) target(%dma_start3A_42 : memref<9600xf32, #tpu.memory_space<vmem>>) target_semaphore(%arg8 : memref<!tpu.dma_semaphore, #tpu.memory_space<semaphore_mem>>)
    %mul3A_45 = arith.constant 240000 : i32
    %mul3A_46 = arith.muli %select_n3A_30, %mul3A_45 : i32
    %add3A_47 = arith.constant 9600 : i32
    %add3A_48 = arith.addi %mul3A_46, %add3A_47 : i32
    %dma_start3A_49 = arith.constant 0 : i32
    %dma_start3A_50 = tpu.memref_slice %arg5[%dma_start3A_49] : memref<48000xf32, #tpu.memory_space<vmem>> -> memref<38400xf32, #tpu.memory_space<vmem>>
    %dma_start3A_51 = tpu.memref_slice %arg2[%select_n3A, %add3A_48] : memref<16x480000xf32, #tpu.memory_space<hbm>> -> memref<1x38400xf32, #tpu.memory_space<hbm>>
    %dma_start3A_52 = tpu.memref_squeeze %dma_start3A_51 : memref<1x38400xf32, #tpu.memory_space<hbm>> -> memref<38400xf32, #tpu.memory_space<hbm>>
    %dma_start3A_53 = arith.constant 0 : i32
    %dma_start3A_54 = tpu.memref_slice %arg5[%dma_start3A_53] : memref<48000xf32, #tpu.memory_space<vmem>> -> memref<38400xf32, #tpu.memory_space<vmem>>
    %dma_start3A_55 = tpu.memref_slice %arg2[%select_n3A, %add3A_48] : memref<16x480000xf32, #tpu.memory_space<hbm>> -> memref<1x38400xf32, #tpu.memory_space<hbm>>
    %dma_start3A_56 = tpu.memref_squeeze %dma_start3A_55 : memref<1x38400xf32, #tpu.memory_space<hbm>> -> memref<38400xf32, #tpu.memory_space<hbm>>
    tpu.enqueue_dma source(%dma_start3A_56 : memref<38400xf32, #tpu.memory_space<hbm>>) target(%dma_start3A_54 : memref<38400xf32, #tpu.memory_space<vmem>>) target_semaphore(%arg9 : memref<!tpu.dma_semaphore, #tpu.memory_space<semaphore_mem>>)
    %mul3A_57 = arith.constant 240000 : i32
    %mul3A_58 = arith.muli %select_n3A_30, %mul3A_57 : i32
    %add3A_59 = arith.constant 0 : i32
    %add3A_60 = arith.addi %mul3A_58, %add3A_59 : i32
    %dma_wait3A = arith.constant 0 : i32
    %dma_wait3A_61 = tpu.memref_slice %arg4[%dma_wait3A] : memref<48000xf32, #tpu.memory_space<vmem>> -> memref<9600xf32, #tpu.memory_space<vmem>>
    %dma_wait3A_62 = tpu.memref_slice %arg2[%select_n3A, %add3A_60] : memref<16x480000xf32, #tpu.memory_space<hbm>> -> memref<1x9600xf32, #tpu.memory_space<hbm>>
    %dma_wait3A_63 = tpu.memref_squeeze %dma_wait3A_62 : memref<1x9600xf32, #tpu.memory_space<hbm>> -> memref<9600xf32, #tpu.memory_space<hbm>>
    %dma_wait3A_64 = arith.constant 0 : i32
    %dma_wait3A_65 = tpu.memref_slice %arg4[%dma_wait3A_64] : memref<48000xf32, #tpu.memory_space<vmem>> -> memref<9600xf32, #tpu.memory_space<vmem>>
    %dma_wait3A_66 = tpu.memref_slice %arg2[%select_n3A, %add3A_60] : memref<16x480000xf32, #tpu.memory_space<hbm>> -> memref<1x9600xf32, #tpu.memory_space<hbm>>
    %dma_wait3A_67 = tpu.memref_squeeze %dma_wait3A_66 : memref<1x9600xf32, #tpu.memory_space<hbm>> -> memref<9600xf32, #tpu.memory_space<hbm>>
    tpu.wait_dma2 semaphore(%arg8 : memref<!tpu.dma_semaphore, #tpu.memory_space<semaphore_mem>>) src(%dma_wait3A_67 : memref<9600xf32, #tpu.memory_space<hbm>>) dst(%dma_wait3A_65 : memref<9600xf32, #tpu.memory_space<vmem>>)
    %parallel_loop3A = arith.constant 0 : i32
    %parallel_loop3A_68 = arith.constant 200 : i32
    %parallel_loop3A_69 = arith.constant 1 : i32
    scf.for %parallel_loop3A_360 = %parallel_loop3A to %parallel_loop3A_68 step %parallel_loop3A_69  : i32 {
      %parallel_loop3A_361 = arith.constant 48 : i32
      %parallel_loop3A_362 = arith.muli %parallel_loop3A_360, %parallel_loop3A_361 : i32
      %parallel_loop3A_363 = vector.broadcast %parallel_loop3A_362 : i32 to vector<16xi32>
      %parallel_loop3A_364 = arith.addi %mul3A_33, %parallel_loop3A_363 : vector<16xi32>
      %parallel_loop3A_365 = tpu.vector_load_idx %arg4[%parallel_loop3A_364] : memref<48000xf32, #tpu.memory_space<vmem>>[vector<16xi32>], vector<16xf32>,
      %parallel_loop3A_366 = arith.constant 16 : i32
      %parallel_loop3A_367 = arith.muli %parallel_loop3A_360, %parallel_loop3A_366 : i32
      %parallel_loop3A_368 = arith.index_cast %parallel_loop3A_367 : i32 to index
      %parallel_loop3A_369 = tpu.vector_load %arg6[%parallel_loop3A_368] {strides = array<i32>} : memref<16000xf32, #tpu.memory_space<vmem>>, vector<16xf32>,
      tpu.vector_store %arg6[%parallel_loop3A_368], %parallel_loop3A_365 {strides = array<i32>} : memref<16000xf32, #tpu.memory_space<vmem>>, vector<16xf32>,
    } {sc.loop_unroll_factor = 8 : i64, sc.parallel_access}
    %mul3A_70 = arith.constant 80000 : i32
    %mul3A_71 = arith.muli %select_n3A_30, %mul3A_70 : i32
    %add3A_72 = arith.constant 0 : i32
    %add3A_73 = arith.addi %mul3A_71, %add3A_72 : i32
    %dma_start3A_74 = arith.constant 0 : i32
    %dma_start3A_75 = tpu.memref_slice %arg6[%dma_start3A_74] : memref<16000xf32, #tpu.memory_space<vmem>> -> memref<3200xf32, #tpu.memory_space<vmem>>
    %dma_start3A_76 = tpu.memref_slice %arg3[%select_n3A, %add3A_73] : memref<16x160000xf32, #tpu.memory_space<hbm>> -> memref<1x3200xf32, #tpu.memory_space<hbm>>
    %dma_start3A_77 = tpu.memref_squeeze %dma_start3A_76 : memref<1x3200xf32, #tpu.memory_space<hbm>> -> memref<3200xf32, #tpu.memory_space<hbm>>
    %dma_start3A_78 = tpu.memref_slice %arg3[%select_n3A, %add3A_73] : memref<16x160000xf32, #tpu.memory_space<hbm>> -> memref<1x3200xf32, #tpu.memory_space<hbm>>
    %dma_start3A_79 = tpu.memref_squeeze %dma_start3A_78 : memref<1x3200xf32, #tpu.memory_space<hbm>> -> memref<3200xf32, #tpu.memory_space<hbm>>
    %dma_start3A_80 = arith.constant 0 : i32
    %dma_start3A_81 = tpu.memref_slice %arg6[%dma_start3A_80] : memref<16000xf32, #tpu.memory_space<vmem>> -> memref<3200xf32, #tpu.memory_space<vmem>>
    tpu.enqueue_dma source(%dma_start3A_81 : memref<3200xf32, #tpu.memory_space<vmem>>) target(%dma_start3A_79 : memref<3200xf32, #tpu.memory_space<hbm>>) target_semaphore(%arg10 : memref<!tpu.dma_semaphore, #tpu.memory_space<semaphore_mem>>)
    %mul3A_82 = arith.constant 240000 : i32
    %mul3A_83 = arith.muli %select_n3A_30, %mul3A_82 : i32
    %add3A_84 = arith.constant 48000 : i32
    %add3A_85 = arith.addi %mul3A_83, %add3A_84 : i32
    %dma_start3A_86 = arith.constant 0 : i32
    %dma_start3A_87 = tpu.memref_slice %arg4[%dma_start3A_86] : memref<48000xf32, #tpu.memory_space<vmem>> -> memref<48000xf32, #tpu.memory_space<vmem>>
    %dma_start3A_88 = tpu.memref_slice %arg2[%select_n3A, %add3A_85] : memref<16x480000xf32, #tpu.memory_space<hbm>> -> memref<1x48000xf32, #tpu.memory_space<hbm>>
    %dma_start3A_89 = tpu.memref_squeeze %dma_start3A_88 : memref<1x48000xf32, #tpu.memory_space<hbm>> -> memref<48000xf32, #tpu.memory_space<hbm>>
    %dma_start3A_90 = arith.constant 0 : i32
    %dma_start3A_91 = tpu.memref_slice %arg4[%dma_start3A_90] : memref<48000xf32, #tpu.memory_space<vmem>> -> memref<48000xf32, #tpu.memory_space<vmem>>
    %dma_start3A_92 = tpu.memref_slice %arg2[%select_n3A, %add3A_85] : memref<16x480000xf32, #tpu.memory_space<hbm>> -> memref<1x48000xf32, #tpu.memory_space<hbm>>
    %dma_start3A_93 = tpu.memref_squeeze %dma_start3A_92 : memref<1x48000xf32, #tpu.memory_space<hbm>> -> memref<48000xf32, #tpu.memory_space<hbm>>
    tpu.enqueue_dma source(%dma_start3A_93 : memref<48000xf32, #tpu.memory_space<hbm>>) target(%dma_start3A_91 : memref<48000xf32, #tpu.memory_space<vmem>>) target_semaphore(%arg8 : memref<!tpu.dma_semaphore, #tpu.memory_space<semaphore_mem>>)
    %mul3A_94 = arith.constant 240000 : i32
    %mul3A_95 = arith.muli %select_n3A_30, %mul3A_94 : i32
    %add3A_96 = arith.constant 9600 : i32
    %add3A_97 = arith.addi %mul3A_95, %add3A_96 : i32
    %dma_wait3A_98 = arith.constant 0 : i32
    %dma_wait3A_99 = tpu.memref_slice %arg5[%dma_wait3A_98] : memref<48000xf32, #tpu.memory_space<vmem>> -> memref<38400xf32, #tpu.memory_space<vmem>>
    %dma_wait3A_100 = tpu.memref_slice %arg2[%select_n3A, %add3A_97] : memref<16x480000xf32, #tpu.memory_space<hbm>> -> memref<1x38400xf32, #tpu.memory_space<hbm>>
    %dma_wait3A_101 = tpu.memref_squeeze %dma_wait3A_100 : memref<1x38400xf32, #tpu.memory_space<hbm>> -> memref<38400xf32, #tpu.memory_space<hbm>>
    %dma_wait3A_102 = arith.constant 0 : i32
    %dma_wait3A_103 = tpu.memref_slice %arg5[%dma_wait3A_102] : memref<48000xf32, #tpu.memory_space<vmem>> -> memref<38400xf32, #tpu.memory_space<vmem>>
    %dma_wait3A_104 = tpu.memref_slice %arg2[%select_n3A, %add3A_97] : memref<16x480000xf32, #tpu.memory_space<hbm>> -> memref<1x38400xf32, #tpu.memory_space<hbm>>
    %dma_wait3A_105 = tpu.memref_squeeze %dma_wait3A_104 : memref<1x38400xf32, #tpu.memory_space<hbm>> -> memref<38400xf32, #tpu.memory_space<hbm>>
    tpu.wait_dma2 semaphore(%arg9 : memref<!tpu.dma_semaphore, #tpu.memory_space<semaphore_mem>>) src(%dma_wait3A_105 : memref<38400xf32, #tpu.memory_space<hbm>>) dst(%dma_wait3A_103 : memref<38400xf32, #tpu.memory_space<vmem>>)
    %parallel_loop3A_106 = arith.constant 0 : i32
    %parallel_loop3A_107 = arith.constant 800 : i32
    %parallel_loop3A_108 = arith.constant 1 : i32
    scf.for %parallel_loop3A_360 = %parallel_loop3A_106 to %parallel_loop3A_107 step %parallel_loop3A_108  : i32 {
      %parallel_loop3A_361 = arith.constant 48 : i32
      %parallel_loop3A_362 = arith.muli %parallel_loop3A_360, %parallel_loop3A_361 : i32
      %parallel_loop3A_363 = vector.broadcast %parallel_loop3A_362 : i32 to vector<16xi32>
      %parallel_loop3A_364 = arith.addi %mul3A_33, %parallel_loop3A_363 : vector<16xi32>
      %parallel_loop3A_365 = tpu.vector_load_idx %arg5[%parallel_loop3A_364] : memref<48000xf32, #tpu.memory_space<vmem>>[vector<16xi32>], vector<16xf32>,
      %parallel_loop3A_366 = arith.constant 16 : i32
      %parallel_loop3A_367 = arith.muli %parallel_loop3A_360, %parallel_loop3A_366 : i32
      %parallel_loop3A_368 = arith.index_cast %parallel_loop3A_367 : i32 to index
      %parallel_loop3A_369 = tpu.vector_load %arg7[%parallel_loop3A_368] {strides = array<i32>} : memref<16000xf32, #tpu.memory_space<vmem>>, vector<16xf32>,
      tpu.vector_store %arg7[%parallel_loop3A_368], %parallel_loop3A_365 {strides = array<i32>} : memref<16000xf32, #tpu.memory_space<vmem>>, vector<16xf32>,
    } {sc.loop_unroll_factor = 8 : i64, sc.parallel_access}
    %mul3A_109 = arith.constant 80000 : i32
    %mul3A_110 = arith.muli %select_n3A_30, %mul3A_109 : i32
    %add3A_111 = arith.constant 3200 : i32
    %add3A_112 = arith.addi %mul3A_110, %add3A_111 : i32
    %dma_start3A_113 = arith.constant 0 : i32
    %dma_start3A_114 = tpu.memref_slice %arg7[%dma_start3A_113] : memref<16000xf32, #tpu.memory_space<vmem>> -> memref<12800xf32, #tpu.memory_space<vmem>>
    %dma_start3A_115 = tpu.memref_slice %arg3[%select_n3A, %add3A_112] : memref<16x160000xf32, #tpu.memory_space<hbm>> -> memref<1x12800xf32, #tpu.memory_space<hbm>>
    %dma_start3A_116 = tpu.memref_squeeze %dma_start3A_115 : memref<1x12800xf32, #tpu.memory_space<hbm>> -> memref<12800xf32, #tpu.memory_space<hbm>>
    %dma_start3A_117 = tpu.memref_slice %arg3[%select_n3A, %add3A_112] : memref<16x160000xf32, #tpu.memory_space<hbm>> -> memref<1x12800xf32, #tpu.memory_space<hbm>>
    %dma_start3A_118 = tpu.memref_squeeze %dma_start3A_117 : memref<1x12800xf32, #tpu.memory_space<hbm>> -> memref<12800xf32, #tpu.memory_space<hbm>>
    %dma_start3A_119 = arith.constant 0 : i32
    %dma_start3A_120 = tpu.memref_slice %arg7[%dma_start3A_119] : memref<16000xf32, #tpu.memory_space<vmem>> -> memref<12800xf32, #tpu.memory_space<vmem>>
    tpu.enqueue_dma source(%dma_start3A_120 : memref<12800xf32, #tpu.memory_space<vmem>>) target(%dma_start3A_118 : memref<12800xf32, #tpu.memory_space<hbm>>) target_semaphore(%arg11 : memref<!tpu.dma_semaphore, #tpu.memory_space<semaphore_mem>>)
    %mul3A_121 = arith.constant 240000 : i32
    %mul3A_122 = arith.muli %select_n3A_30, %mul3A_121 : i32
    %add3A_123 = arith.constant 96000 : i32
    %add3A_124 = arith.addi %mul3A_122, %add3A_123 : i32
    %dma_start3A_125 = arith.constant 0 : i32
    %dma_start3A_126 = tpu.memref_slice %arg5[%dma_start3A_125] : memref<48000xf32, #tpu.memory_space<vmem>> -> memref<48000xf32, #tpu.memory_space<vmem>>
    %dma_start3A_127 = tpu.memref_slice %arg2[%select_n3A, %add3A_124] : memref<16x480000xf32, #tpu.memory_space<hbm>> -> memref<1x48000xf32, #tpu.memory_space<hbm>>
    %dma_start3A_128 = tpu.memref_squeeze %dma_start3A_127 : memref<1x48000xf32, #tpu.memory_space<hbm>> -> memref<48000xf32, #tpu.memory_space<hbm>>
    %dma_start3A_129 = arith.constant 0 : i32
    %dma_start3A_130 = tpu.memref_slice %arg5[%dma_start3A_129] : memref<48000xf32, #tpu.memory_space<vmem>> -> memref<48000xf32, #tpu.memory_space<vmem>>
    %dma_start3A_131 = tpu.memref_slice %arg2[%select_n3A, %add3A_124] : memref<16x480000xf32, #tpu.memory_space<hbm>> -> memref<1x48000xf32, #tpu.memory_space<hbm>>
    %dma_start3A_132 = tpu.memref_squeeze %dma_start3A_131 : memref<1x48000xf32, #tpu.memory_space<hbm>> -> memref<48000xf32, #tpu.memory_space<hbm>>
    tpu.enqueue_dma source(%dma_start3A_132 : memref<48000xf32, #tpu.memory_space<hbm>>) target(%dma_start3A_130 : memref<48000xf32, #tpu.memory_space<vmem>>) target_semaphore(%arg9 : memref<!tpu.dma_semaphore, #tpu.memory_space<semaphore_mem>>)
    %mul3A_133 = arith.constant 240000 : i32
    %mul3A_134 = arith.muli %select_n3A_30, %mul3A_133 : i32
    %add3A_135 = arith.constant 48000 : i32
    %add3A_136 = arith.addi %mul3A_134, %add3A_135 : i32
    %dma_wait3A_137 = arith.constant 0 : i32
    %dma_wait3A_138 = tpu.memref_slice %arg4[%dma_wait3A_137] : memref<48000xf32, #tpu.memory_space<vmem>> -> memref<48000xf32, #tpu.memory_space<vmem>>
    %dma_wait3A_139 = tpu.memref_slice %arg2[%select_n3A, %add3A_136] : memref<16x480000xf32, #tpu.memory_space<hbm>> -> memref<1x48000xf32, #tpu.memory_space<hbm>>
    %dma_wait3A_140 = tpu.memref_squeeze %dma_wait3A_139 : memref<1x48000xf32, #tpu.memory_space<hbm>> -> memref<48000xf32, #tpu.memory_space<hbm>>
    %dma_wait3A_141 = arith.constant 0 : i32
    %dma_wait3A_142 = tpu.memref_slice %arg4[%dma_wait3A_141] : memref<48000xf32, #tpu.memory_space<vmem>> -> memref<48000xf32, #tpu.memory_space<vmem>>
    %dma_wait3A_143 = tpu.memref_slice %arg2[%select_n3A, %add3A_136] : memref<16x480000xf32, #tpu.memory_space<hbm>> -> memref<1x48000xf32, #tpu.memory_space<hbm>>
    %dma_wait3A_144 = tpu.memref_squeeze %dma_wait3A_143 : memref<1x48000xf32, #tpu.memory_space<hbm>> -> memref<48000xf32, #tpu.memory_space<hbm>>
    tpu.wait_dma2 semaphore(%arg8 : memref<!tpu.dma_semaphore, #tpu.memory_space<semaphore_mem>>) src(%dma_wait3A_144 : memref<48000xf32, #tpu.memory_space<hbm>>) dst(%dma_wait3A_142 : memref<48000xf32, #tpu.memory_space<vmem>>)
    %dma_wait3A_145 = arith.constant 0 : i32
    %dma_wait3A_146 = tpu.memref_slice %arg6[%dma_wait3A_145] : memref<16000xf32, #tpu.memory_space<vmem>> -> memref<3200xf32, #tpu.memory_space<vmem>>
    %dma_wait3A_147 = tpu.memref_slice %arg3[%select_n3A, %add3A_73] : memref<16x160000xf32, #tpu.memory_space<hbm>> -> memref<1x3200xf32, #tpu.memory_space<hbm>>
    %dma_wait3A_148 = tpu.memref_squeeze %dma_wait3A_147 : memref<1x3200xf32, #tpu.memory_space<hbm>> -> memref<3200xf32, #tpu.memory_space<hbm>>
    %dma_wait3A_149 = tpu.memref_slice %arg3[%select_n3A, %add3A_73] : memref<16x160000xf32, #tpu.memory_space<hbm>> -> memref<1x3200xf32, #tpu.memory_space<hbm>>
    %dma_wait3A_150 = tpu.memref_squeeze %dma_wait3A_149 : memref<1x3200xf32, #tpu.memory_space<hbm>> -> memref<3200xf32, #tpu.memory_space<hbm>>
    %dma_wait3A_151 = arith.constant 0 : i32
    %dma_wait3A_152 = tpu.memref_slice %arg6[%dma_wait3A_151] : memref<16000xf32, #tpu.memory_space<vmem>> -> memref<3200xf32, #tpu.memory_space<vmem>>
    tpu.wait_dma2 semaphore(%arg10 : memref<!tpu.dma_semaphore, #tpu.memory_space<semaphore_mem>>) src(%dma_wait3A_152 : memref<3200xf32, #tpu.memory_space<vmem>>) dst(%dma_wait3A_150 : memref<3200xf32, #tpu.memory_space<hbm>>)
    %parallel_loop3A_153 = arith.constant 0 : i32
    %parallel_loop3A_154 = arith.constant 1000 : i32
    %parallel_loop3A_155 = arith.constant 1 : i32
    scf.for %parallel_loop3A_360 = %parallel_loop3A_153 to %parallel_loop3A_154 step %parallel_loop3A_155  : i32 {
      %parallel_loop3A_361 = arith.constant 48 : i32
      %parallel_loop3A_362 = arith.muli %parallel_loop3A_360, %parallel_loop3A_361 : i32
      %parallel_loop3A_363 = vector.broadcast %parallel_loop3A_362 : i32 to vector<16xi32>
      %parallel_loop3A_364 = arith.addi %mul3A_33, %parallel_loop3A_363 : vector<16xi32>
      %parallel_loop3A_365 = tpu.vector_load_idx %arg4[%parallel_loop3A_364] : memref<48000xf32, #tpu.memory_space<vmem>>[vector<16xi32>], vector<16xf32>,
      %parallel_loop3A_366 = arith.constant 16 : i32
      %parallel_loop3A_367 = arith.muli %parallel_loop3A_360, %parallel_loop3A_366 : i32
      %parallel_loop3A_368 = arith.index_cast %parallel_loop3A_367 : i32 to index
      %parallel_loop3A_369 = tpu.vector_load %arg6[%parallel_loop3A_368] {strides = array<i32>} : memref<16000xf32, #tpu.memory_space<vmem>>, vector<16xf32>,
      tpu.vector_store %arg6[%parallel_loop3A_368], %parallel_loop3A_365 {strides = array<i32>} : memref<16000xf32, #tpu.memory_space<vmem>>, vector<16xf32>,
    } {sc.loop_unroll_factor = 8 : i64, sc.parallel_access}
    %mul3A_156 = arith.constant 80000 : i32
    %mul3A_157 = arith.muli %select_n3A_30, %mul3A_156 : i32
    %add3A_158 = arith.constant 16000 : i32
    %add3A_159 = arith.addi %mul3A_157, %add3A_158 : i32
    %dma_start3A_160 = arith.constant 0 : i32
    %dma_start3A_161 = tpu.memref_slice %arg6[%dma_start3A_160] : memref<16000xf32, #tpu.memory_space<vmem>> -> memref<16000xf32, #tpu.memory_space<vmem>>
    %dma_start3A_162 = tpu.memref_slice %arg3[%select_n3A, %add3A_159] : memref<16x160000xf32, #tpu.memory_space<hbm>> -> memref<1x16000xf32, #tpu.memory_space<hbm>>
    %dma_start3A_163 = tpu.memref_squeeze %dma_start3A_162 : memref<1x16000xf32, #tpu.memory_space<hbm>> -> memref<16000xf32, #tpu.memory_space<hbm>>
    %dma_start3A_164 = tpu.memref_slice %arg3[%select_n3A, %add3A_159] : memref<16x160000xf32, #tpu.memory_space<hbm>> -> memref<1x16000xf32, #tpu.memory_space<hbm>>
    %dma_start3A_165 = tpu.memref_squeeze %dma_start3A_164 : memref<1x16000xf32, #tpu.memory_space<hbm>> -> memref<16000xf32, #tpu.memory_space<hbm>>
    %dma_start3A_166 = arith.constant 0 : i32
    %dma_start3A_167 = tpu.memref_slice %arg6[%dma_start3A_166] : memref<16000xf32, #tpu.memory_space<vmem>> -> memref<16000xf32, #tpu.memory_space<vmem>>
    tpu.enqueue_dma source(%dma_start3A_167 : memref<16000xf32, #tpu.memory_space<vmem>>) target(%dma_start3A_165 : memref<16000xf32, #tpu.memory_space<hbm>>) target_semaphore(%arg10 : memref<!tpu.dma_semaphore, #tpu.memory_space<semaphore_mem>>)
    %mul3A_168 = arith.constant 240000 : i32
    %mul3A_169 = arith.muli %select_n3A_30, %mul3A_168 : i32
    %add3A_170 = arith.constant 144000 : i32
    %add3A_171 = arith.addi %mul3A_169, %add3A_170 : i32
    %dma_start3A_172 = arith.constant 0 : i32
    %dma_start3A_173 = tpu.memref_slice %arg4[%dma_start3A_172] : memref<48000xf32, #tpu.memory_space<vmem>> -> memref<48000xf32, #tpu.memory_space<vmem>>
    %dma_start3A_174 = tpu.memref_slice %arg2[%select_n3A, %add3A_171] : memref<16x480000xf32, #tpu.memory_space<hbm>> -> memref<1x48000xf32, #tpu.memory_space<hbm>>
    %dma_start3A_175 = tpu.memref_squeeze %dma_start3A_174 : memref<1x48000xf32, #tpu.memory_space<hbm>> -> memref<48000xf32, #tpu.memory_space<hbm>>
    %dma_start3A_176 = arith.constant 0 : i32
    %dma_start3A_177 = tpu.memref_slice %arg4[%dma_start3A_176] : memref<48000xf32, #tpu.memory_space<vmem>> -> memref<48000xf32, #tpu.memory_space<vmem>>
    %dma_start3A_178 = tpu.memref_slice %arg2[%select_n3A, %add3A_171] : memref<16x480000xf32, #tpu.memory_space<hbm>> -> memref<1x48000xf32, #tpu.memory_space<hbm>>
    %dma_start3A_179 = tpu.memref_squeeze %dma_start3A_178 : memref<1x48000xf32, #tpu.memory_space<hbm>> -> memref<48000xf32, #tpu.memory_space<hbm>>
    tpu.enqueue_dma source(%dma_start3A_179 : memref<48000xf32, #tpu.memory_space<hbm>>) target(%dma_start3A_177 : memref<48000xf32, #tpu.memory_space<vmem>>) target_semaphore(%arg8 : memref<!tpu.dma_semaphore, #tpu.memory_space<semaphore_mem>>)
    %mul3A_180 = arith.constant 240000 : i32
    %mul3A_181 = arith.muli %select_n3A_30, %mul3A_180 : i32
    %add3A_182 = arith.constant 96000 : i32
    %add3A_183 = arith.addi %mul3A_181, %add3A_182 : i32
    %dma_wait3A_184 = arith.constant 0 : i32
    %dma_wait3A_185 = tpu.memref_slice %arg5[%dma_wait3A_184] : memref<48000xf32, #tpu.memory_space<vmem>> -> memref<48000xf32, #tpu.memory_space<vmem>>
    %dma_wait3A_186 = tpu.memref_slice %arg2[%select_n3A, %add3A_183] : memref<16x480000xf32, #tpu.memory_space<hbm>> -> memref<1x48000xf32, #tpu.memory_space<hbm>>
    %dma_wait3A_187 = tpu.memref_squeeze %dma_wait3A_186 : memref<1x48000xf32, #tpu.memory_space<hbm>> -> memref<48000xf32, #tpu.memory_space<hbm>>
    %dma_wait3A_188 = arith.constant 0 : i32
    %dma_wait3A_189 = tpu.memref_slice %arg5[%dma_wait3A_188] : memref<48000xf32, #tpu.memory_space<vmem>> -> memref<48000xf32, #tpu.memory_space<vmem>>
    %dma_wait3A_190 = tpu.memref_slice %arg2[%select_n3A, %add3A_183] : memref<16x480000xf32, #tpu.memory_space<hbm>> -> memref<1x48000xf32, #tpu.memory_space<hbm>>
    %dma_wait3A_191 = tpu.memref_squeeze %dma_wait3A_190 : memref<1x48000xf32, #tpu.memory_space<hbm>> -> memref<48000xf32, #tpu.memory_space<hbm>>
    tpu.wait_dma2 semaphore(%arg9 : memref<!tpu.dma_semaphore, #tpu.memory_space<semaphore_mem>>) src(%dma_wait3A_191 : memref<48000xf32, #tpu.memory_space<hbm>>) dst(%dma_wait3A_189 : memref<48000xf32, #tpu.memory_space<vmem>>)
    %dma_wait3A_192 = arith.constant 0 : i32
    %dma_wait3A_193 = tpu.memref_slice %arg7[%dma_wait3A_192] : memref<16000xf32, #tpu.memory_space<vmem>> -> memref<12800xf32, #tpu.memory_space<vmem>>
    %dma_wait3A_194 = tpu.memref_slice %arg3[%select_n3A, %add3A_112] : memref<16x160000xf32, #tpu.memory_space<hbm>> -> memref<1x12800xf32, #tpu.memory_space<hbm>>
    %dma_wait3A_195 = tpu.memref_squeeze %dma_wait3A_194 : memref<1x12800xf32, #tpu.memory_space<hbm>> -> memref<12800xf32, #tpu.memory_space<hbm>>
    %dma_wait3A_196 = tpu.memref_slice %arg3[%select_n3A, %add3A_112] : memref<16x160000xf32, #tpu.memory_space<hbm>> -> memref<1x12800xf32, #tpu.memory_space<hbm>>
    %dma_wait3A_197 = tpu.memref_squeeze %dma_wait3A_196 : memref<1x12800xf32, #tpu.memory_space<hbm>> -> memref<12800xf32, #tpu.memory_space<hbm>>
    %dma_wait3A_198 = arith.constant 0 : i32
    %dma_wait3A_199 = tpu.memref_slice %arg7[%dma_wait3A_198] : memref<16000xf32, #tpu.memory_space<vmem>> -> memref<12800xf32, #tpu.memory_space<vmem>>
    tpu.wait_dma2 semaphore(%arg11 : memref<!tpu.dma_semaphore, #tpu.memory_space<semaphore_mem>>) src(%dma_wait3A_199 : memref<12800xf32, #tpu.memory_space<vmem>>) dst(%dma_wait3A_197 : memref<12800xf32, #tpu.memory_space<hbm>>)
    %parallel_loop3A_200 = arith.constant 0 : i32
    %parallel_loop3A_201 = arith.constant 1000 : i32
    %parallel_loop3A_202 = arith.constant 1 : i32
    scf.for %parallel_loop3A_360 = %parallel_loop3A_200 to %parallel_loop3A_201 step %parallel_loop3A_202  : i32 {
      %parallel_loop3A_361 = arith.constant 48 : i32
      %parallel_loop3A_362 = arith.muli %parallel_loop3A_360, %parallel_loop3A_361 : i32
      %parallel_loop3A_363 = vector.broadcast %parallel_loop3A_362 : i32 to vector<16xi32>
      %parallel_loop3A_364 = arith.addi %mul3A_33, %parallel_loop3A_363 : vector<16xi32>
      %parallel_loop3A_365 = tpu.vector_load_idx %arg5[%parallel_loop3A_364] : memref<48000xf32, #tpu.memory_space<vmem>>[vector<16xi32>], vector<16xf32>,
      %parallel_loop3A_366 = arith.constant 16 : i32
      %parallel_loop3A_367 = arith.muli %parallel_loop3A_360, %parallel_loop3A_366 : i32
      %parallel_loop3A_368 = arith.index_cast %parallel_loop3A_367 : i32 to index
      %parallel_loop3A_369 = tpu.vector_load %arg7[%parallel_loop3A_368] {strides = array<i32>} : memref<16000xf32, #tpu.memory_space<vmem>>, vector<16xf32>,
      tpu.vector_store %arg7[%parallel_loop3A_368], %parallel_loop3A_365 {strides = array<i32>} : memref<16000xf32, #tpu.memory_space<vmem>>, vector<16xf32>,
    } {sc.loop_unroll_factor = 8 : i64, sc.parallel_access}
    %mul3A_203 = arith.constant 80000 : i32
    %mul3A_204 = arith.muli %select_n3A_30, %mul3A_203 : i32
    %add3A_205 = arith.constant 32000 : i32
    %add3A_206 = arith.addi %mul3A_204, %add3A_205 : i32
    %dma_start3A_207 = arith.constant 0 : i32
    %dma_start3A_208 = tpu.memref_slice %arg7[%dma_start3A_207] : memref<16000xf32, #tpu.memory_space<vmem>> -> memref<16000xf32, #tpu.memory_space<vmem>>
    %dma_start3A_209 = tpu.memref_slice %arg3[%select_n3A, %add3A_206] : memref<16x160000xf32, #tpu.memory_space<hbm>> -> memref<1x16000xf32, #tpu.memory_space<hbm>>
    %dma_start3A_210 = tpu.memref_squeeze %dma_start3A_209 : memref<1x16000xf32, #tpu.memory_space<hbm>> -> memref<16000xf32, #tpu.memory_space<hbm>>
    %dma_start3A_211 = tpu.memref_slice %arg3[%select_n3A, %add3A_206] : memref<16x160000xf32, #tpu.memory_space<hbm>> -> memref<1x16000xf32, #tpu.memory_space<hbm>>
    %dma_start3A_212 = tpu.memref_squeeze %dma_start3A_211 : memref<1x16000xf32, #tpu.memory_space<hbm>> -> memref<16000xf32, #tpu.memory_space<hbm>>
    %dma_start3A_213 = arith.constant 0 : i32
    %dma_start3A_214 = tpu.memref_slice %arg7[%dma_start3A_213] : memref<16000xf32, #tpu.memory_space<vmem>> -> memref<16000xf32, #tpu.memory_space<vmem>>
    tpu.enqueue_dma source(%dma_start3A_214 : memref<16000xf32, #tpu.memory_space<vmem>>) target(%dma_start3A_212 : memref<16000xf32, #tpu.memory_space<hbm>>) target_semaphore(%arg11 : memref<!tpu.dma_semaphore, #tpu.memory_space<semaphore_mem>>)
    %mul3A_215 = arith.constant 240000 : i32
    %mul3A_216 = arith.muli %select_n3A_30, %mul3A_215 : i32
    %add3A_217 = arith.constant 192000 : i32
    %add3A_218 = arith.addi %mul3A_216, %add3A_217 : i32
    %dma_start3A_219 = arith.constant 0 : i32
    %dma_start3A_220 = tpu.memref_slice %arg5[%dma_start3A_219] : memref<48000xf32, #tpu.memory_space<vmem>> -> memref<38400xf32, #tpu.memory_space<vmem>>
    %dma_start3A_221 = tpu.memref_slice %arg2[%select_n3A, %add3A_218] : memref<16x480000xf32, #tpu.memory_space<hbm>> -> memref<1x38400xf32, #tpu.memory_space<hbm>>
    %dma_start3A_222 = tpu.memref_squeeze %dma_start3A_221 : memref<1x38400xf32, #tpu.memory_space<hbm>> -> memref<38400xf32, #tpu.memory_space<hbm>>
    %dma_start3A_223 = arith.constant 0 : i32
    %dma_start3A_224 = tpu.memref_slice %arg5[%dma_start3A_223] : memref<48000xf32, #tpu.memory_space<vmem>> -> memref<38400xf32, #tpu.memory_space<vmem>>
    %dma_start3A_225 = tpu.memref_slice %arg2[%select_n3A, %add3A_218] : memref<16x480000xf32, #tpu.memory_space<hbm>> -> memref<1x38400xf32, #tpu.memory_space<hbm>>
    %dma_start3A_226 = tpu.memref_squeeze %dma_start3A_225 : memref<1x38400xf32, #tpu.memory_space<hbm>> -> memref<38400xf32, #tpu.memory_space<hbm>>
    tpu.enqueue_dma source(%dma_start3A_226 : memref<38400xf32, #tpu.memory_space<hbm>>) target(%dma_start3A_224 : memref<38400xf32, #tpu.memory_space<vmem>>) target_semaphore(%arg9 : memref<!tpu.dma_semaphore, #tpu.memory_space<semaphore_mem>>)
    %mul3A_227 = arith.constant 240000 : i32
    %mul3A_228 = arith.muli %select_n3A_30, %mul3A_227 : i32
    %add3A_229 = arith.constant 144000 : i32
    %add3A_230 = arith.addi %mul3A_228, %add3A_229 : i32
    %dma_wait3A_231 = arith.constant 0 : i32
    %dma_wait3A_232 = tpu.memref_slice %arg4[%dma_wait3A_231] : memref<48000xf32, #tpu.memory_space<vmem>> -> memref<48000xf32, #tpu.memory_space<vmem>>
    %dma_wait3A_233 = tpu.memref_slice %arg2[%select_n3A, %add3A_230] : memref<16x480000xf32, #tpu.memory_space<hbm>> -> memref<1x48000xf32, #tpu.memory_space<hbm>>
    %dma_wait3A_234 = tpu.memref_squeeze %dma_wait3A_233 : memref<1x48000xf32, #tpu.memory_space<hbm>> -> memref<48000xf32, #tpu.memory_space<hbm>>
    %dma_wait3A_235 = arith.constant 0 : i32
    %dma_wait3A_236 = tpu.memref_slice %arg4[%dma_wait3A_235] : memref<48000xf32, #tpu.memory_space<vmem>> -> memref<48000xf32, #tpu.memory_space<vmem>>
    %dma_wait3A_237 = tpu.memref_slice %arg2[%select_n3A, %add3A_230] : memref<16x480000xf32, #tpu.memory_space<hbm>> -> memref<1x48000xf32, #tpu.memory_space<hbm>>
    %dma_wait3A_238 = tpu.memref_squeeze %dma_wait3A_237 : memref<1x48000xf32, #tpu.memory_space<hbm>> -> memref<48000xf32, #tpu.memory_space<hbm>>
    tpu.wait_dma2 semaphore(%arg8 : memref<!tpu.dma_semaphore, #tpu.memory_space<semaphore_mem>>) src(%dma_wait3A_238 : memref<48000xf32, #tpu.memory_space<hbm>>) dst(%dma_wait3A_236 : memref<48000xf32, #tpu.memory_space<vmem>>)
    %dma_wait3A_239 = arith.constant 0 : i32
    %dma_wait3A_240 = tpu.memref_slice %arg6[%dma_wait3A_239] : memref<16000xf32, #tpu.memory_space<vmem>> -> memref<16000xf32, #tpu.memory_space<vmem>>
    %dma_wait3A_241 = tpu.memref_slice %arg3[%select_n3A, %add3A_159] : memref<16x160000xf32, #tpu.memory_space<hbm>> -> memref<1x16000xf32, #tpu.memory_space<hbm>>
    %dma_wait3A_242 = tpu.memref_squeeze %dma_wait3A_241 : memref<1x16000xf32, #tpu.memory_space<hbm>> -> memref<16000xf32, #tpu.memory_space<hbm>>
    %dma_wait3A_243 = tpu.memref_slice %arg3[%select_n3A, %add3A_159] : memref<16x160000xf32, #tpu.memory_space<hbm>> -> memref<1x16000xf32, #tpu.memory_space<hbm>>
    %dma_wait3A_244 = tpu.memref_squeeze %dma_wait3A_243 : memref<1x16000xf32, #tpu.memory_space<hbm>> -> memref<16000xf32, #tpu.memory_space<hbm>>
    %dma_wait3A_245 = arith.constant 0 : i32
    %dma_wait3A_246 = tpu.memref_slice %arg6[%dma_wait3A_245] : memref<16000xf32, #tpu.memory_space<vmem>> -> memref<16000xf32, #tpu.memory_space<vmem>>
    tpu.wait_dma2 semaphore(%arg10 : memref<!tpu.dma_semaphore, #tpu.memory_space<semaphore_mem>>) src(%dma_wait3A_246 : memref<16000xf32, #tpu.memory_space<vmem>>) dst(%dma_wait3A_244 : memref<16000xf32, #tpu.memory_space<hbm>>)
    %parallel_loop3A_247 = arith.constant 0 : i32
    %parallel_loop3A_248 = arith.constant 1000 : i32
    %parallel_loop3A_249 = arith.constant 1 : i32
    scf.for %parallel_loop3A_360 = %parallel_loop3A_247 to %parallel_loop3A_248 step %parallel_loop3A_249  : i32 {
      %parallel_loop3A_361 = arith.constant 48 : i32
      %parallel_loop3A_362 = arith.muli %parallel_loop3A_360, %parallel_loop3A_361 : i32
      %parallel_loop3A_363 = vector.broadcast %parallel_loop3A_362 : i32 to vector<16xi32>
      %parallel_loop3A_364 = arith.addi %mul3A_33, %parallel_loop3A_363 : vector<16xi32>
      %parallel_loop3A_365 = tpu.vector_load_idx %arg4[%parallel_loop3A_364] : memref<48000xf32, #tpu.memory_space<vmem>>[vector<16xi32>], vector<16xf32>,
      %parallel_loop3A_366 = arith.constant 16 : i32
      %parallel_loop3A_367 = arith.muli %parallel_loop3A_360, %parallel_loop3A_366 : i32
      %parallel_loop3A_368 = arith.index_cast %parallel_loop3A_367 : i32 to index
      %parallel_loop3A_369 = tpu.vector_load %arg6[%parallel_loop3A_368] {strides = array<i32>} : memref<16000xf32, #tpu.memory_space<vmem>>, vector<16xf32>,
      tpu.vector_store %arg6[%parallel_loop3A_368], %parallel_loop3A_365 {strides = array<i32>} : memref<16000xf32, #tpu.memory_space<vmem>>, vector<16xf32>,
    } {sc.loop_unroll_factor = 8 : i64, sc.parallel_access}
    %mul3A_250 = arith.constant 80000 : i32
    %mul3A_251 = arith.muli %select_n3A_30, %mul3A_250 : i32
    %add3A_252 = arith.constant 48000 : i32
    %add3A_253 = arith.addi %mul3A_251, %add3A_252 : i32
    %dma_start3A_254 = arith.constant 0 : i32
    %dma_start3A_255 = tpu.memref_slice %arg6[%dma_start3A_254] : memref<16000xf32, #tpu.memory_space<vmem>> -> memref<16000xf32, #tpu.memory_space<vmem>>
    %dma_start3A_256 = tpu.memref_slice %arg3[%select_n3A, %add3A_253] : memref<16x160000xf32, #tpu.memory_space<hbm>> -> memref<1x16000xf32, #tpu.memory_space<hbm>>
    %dma_start3A_257 = tpu.memref_squeeze %dma_start3A_256 : memref<1x16000xf32, #tpu.memory_space<hbm>> -> memref<16000xf32, #tpu.memory_space<hbm>>
    %dma_start3A_258 = tpu.memref_slice %arg3[%select_n3A, %add3A_253] : memref<16x160000xf32, #tpu.memory_space<hbm>> -> memref<1x16000xf32, #tpu.memory_space<hbm>>
    %dma_start3A_259 = tpu.memref_squeeze %dma_start3A_258 : memref<1x16000xf32, #tpu.memory_space<hbm>> -> memref<16000xf32, #tpu.memory_space<hbm>>
    %dma_start3A_260 = arith.constant 0 : i32
    %dma_start3A_261 = tpu.memref_slice %arg6[%dma_start3A_260] : memref<16000xf32, #tpu.memory_space<vmem>> -> memref<16000xf32, #tpu.memory_space<vmem>>
    tpu.enqueue_dma source(%dma_start3A_261 : memref<16000xf32, #tpu.memory_space<vmem>>) target(%dma_start3A_259 : memref<16000xf32, #tpu.memory_space<hbm>>) target_semaphore(%arg10 : memref<!tpu.dma_semaphore, #tpu.memory_space<semaphore_mem>>)
    %mul3A_262 = arith.constant 240000 : i32
    %mul3A_263 = arith.muli %select_n3A_30, %mul3A_262 : i32
    %add3A_264 = arith.constant 230400 : i32
    %add3A_265 = arith.addi %mul3A_263, %add3A_264 : i32
    %dma_start3A_266 = arith.constant 0 : i32
    %dma_start3A_267 = tpu.memref_slice %arg4[%dma_start3A_266] : memref<48000xf32, #tpu.memory_space<vmem>> -> memref<9600xf32, #tpu.memory_space<vmem>>
    %dma_start3A_268 = tpu.memref_slice %arg2[%select_n3A, %add3A_265] : memref<16x480000xf32, #tpu.memory_space<hbm>> -> memref<1x9600xf32, #tpu.memory_space<hbm>>
    %dma_start3A_269 = tpu.memref_squeeze %dma_start3A_268 : memref<1x9600xf32, #tpu.memory_space<hbm>> -> memref<9600xf32, #tpu.memory_space<hbm>>
    %dma_start3A_270 = arith.constant 0 : i32
    %dma_start3A_271 = tpu.memref_slice %arg4[%dma_start3A_270] : memref<48000xf32, #tpu.memory_space<vmem>> -> memref<9600xf32, #tpu.memory_space<vmem>>
    %dma_start3A_272 = tpu.memref_slice %arg2[%select_n3A, %add3A_265] : memref<16x480000xf32, #tpu.memory_space<hbm>> -> memref<1x9600xf32, #tpu.memory_space<hbm>>
    %dma_start3A_273 = tpu.memref_squeeze %dma_start3A_272 : memref<1x9600xf32, #tpu.memory_space<hbm>> -> memref<9600xf32, #tpu.memory_space<hbm>>
    tpu.enqueue_dma source(%dma_start3A_273 : memref<9600xf32, #tpu.memory_space<hbm>>) target(%dma_start3A_271 : memref<9600xf32, #tpu.memory_space<vmem>>) target_semaphore(%arg8 : memref<!tpu.dma_semaphore, #tpu.memory_space<semaphore_mem>>)
    %mul3A_274 = arith.constant 240000 : i32
    %mul3A_275 = arith.muli %select_n3A_30, %mul3A_274 : i32
    %add3A_276 = arith.constant 192000 : i32
    %add3A_277 = arith.addi %mul3A_275, %add3A_276 : i32
    %dma_wait3A_278 = arith.constant 0 : i32
    %dma_wait3A_279 = tpu.memref_slice %arg5[%dma_wait3A_278] : memref<48000xf32, #tpu.memory_space<vmem>> -> memref<38400xf32, #tpu.memory_space<vmem>>
    %dma_wait3A_280 = tpu.memref_slice %arg2[%select_n3A, %add3A_277] : memref<16x480000xf32, #tpu.memory_space<hbm>> -> memref<1x38400xf32, #tpu.memory_space<hbm>>
    %dma_wait3A_281 = tpu.memref_squeeze %dma_wait3A_280 : memref<1x38400xf32, #tpu.memory_space<hbm>> -> memref<38400xf32, #tpu.memory_space<hbm>>
    %dma_wait3A_282 = arith.constant 0 : i32
    %dma_wait3A_283 = tpu.memref_slice %arg5[%dma_wait3A_282] : memref<48000xf32, #tpu.memory_space<vmem>> -> memref<38400xf32, #tpu.memory_space<vmem>>
    %dma_wait3A_284 = tpu.memref_slice %arg2[%select_n3A, %add3A_277] : memref<16x480000xf32, #tpu.memory_space<hbm>> -> memref<1x38400xf32, #tpu.memory_space<hbm>>
    %dma_wait3A_285 = tpu.memref_squeeze %dma_wait3A_284 : memref<1x38400xf32, #tpu.memory_space<hbm>> -> memref<38400xf32, #tpu.memory_space<hbm>>
    tpu.wait_dma2 semaphore(%arg9 : memref<!tpu.dma_semaphore, #tpu.memory_space<semaphore_mem>>) src(%dma_wait3A_285 : memref<38400xf32, #tpu.memory_space<hbm>>) dst(%dma_wait3A_283 : memref<38400xf32, #tpu.memory_space<vmem>>)
    %dma_wait3A_286 = arith.constant 0 : i32
    %dma_wait3A_287 = tpu.memref_slice %arg7[%dma_wait3A_286] : memref<16000xf32, #tpu.memory_space<vmem>> -> memref<16000xf32, #tpu.memory_space<vmem>>
    %dma_wait3A_288 = tpu.memref_slice %arg3[%select_n3A, %add3A_206] : memref<16x160000xf32, #tpu.memory_space<hbm>> -> memref<1x16000xf32, #tpu.memory_space<hbm>>
    %dma_wait3A_289 = tpu.memref_squeeze %dma_wait3A_288 : memref<1x16000xf32, #tpu.memory_space<hbm>> -> memref<16000xf32, #tpu.memory_space<hbm>>
    %dma_wait3A_290 = tpu.memref_slice %arg3[%select_n3A, %add3A_206] : memref<16x160000xf32, #tpu.memory_space<hbm>> -> memref<1x16000xf32, #tpu.memory_space<hbm>>
    %dma_wait3A_291 = tpu.memref_squeeze %dma_wait3A_290 : memref<1x16000xf32, #tpu.memory_space<hbm>> -> memref<16000xf32, #tpu.memory_space<hbm>>
    %dma_wait3A_292 = arith.constant 0 : i32
    %dma_wait3A_293 = tpu.memref_slice %arg7[%dma_wait3A_292] : memref<16000xf32, #tpu.memory_space<vmem>> -> memref<16000xf32, #tpu.memory_space<vmem>>
    tpu.wait_dma2 semaphore(%arg11 : memref<!tpu.dma_semaphore, #tpu.memory_space<semaphore_mem>>) src(%dma_wait3A_293 : memref<16000xf32, #tpu.memory_space<vmem>>) dst(%dma_wait3A_291 : memref<16000xf32, #tpu.memory_space<hbm>>)
    %parallel_loop3A_294 = arith.constant 0 : i32
    %parallel_loop3A_295 = arith.constant 800 : i32
    %parallel_loop3A_296 = arith.constant 1 : i32
    scf.for %parallel_loop3A_360 = %parallel_loop3A_294 to %parallel_loop3A_295 step %parallel_loop3A_296  : i32 {
      %parallel_loop3A_361 = arith.constant 48 : i32
      %parallel_loop3A_362 = arith.muli %parallel_loop3A_360, %parallel_loop3A_361 : i32
      %parallel_loop3A_363 = vector.broadcast %parallel_loop3A_362 : i32 to vector<16xi32>
      %parallel_loop3A_364 = arith.addi %mul3A_33, %parallel_loop3A_363 : vector<16xi32>
      %parallel_loop3A_365 = tpu.vector_load_idx %arg5[%parallel_loop3A_364] : memref<48000xf32, #tpu.memory_space<vmem>>[vector<16xi32>], vector<16xf32>,
      %parallel_loop3A_366 = arith.constant 16 : i32
      %parallel_loop3A_367 = arith.muli %parallel_loop3A_360, %parallel_loop3A_366 : i32
      %parallel_loop3A_368 = arith.index_cast %parallel_loop3A_367 : i32 to index
      %parallel_loop3A_369 = tpu.vector_load %arg7[%parallel_loop3A_368] {strides = array<i32>} : memref<16000xf32, #tpu.memory_space<vmem>>, vector<16xf32>,
      tpu.vector_store %arg7[%parallel_loop3A_368], %parallel_loop3A_365 {strides = array<i32>} : memref<16000xf32, #tpu.memory_space<vmem>>, vector<16xf32>,
    } {sc.loop_unroll_factor = 8 : i64, sc.parallel_access}
    %mul3A_297 = arith.constant 80000 : i32
    %mul3A_298 = arith.muli %select_n3A_30, %mul3A_297 : i32
    %add3A_299 = arith.constant 64000 : i32
    %add3A_300 = arith.addi %mul3A_298, %add3A_299 : i32
    %dma_start3A_301 = arith.constant 0 : i32
    %dma_start3A_302 = tpu.memref_slice %arg7[%dma_start3A_301] : memref<16000xf32, #tpu.memory_space<vmem>> -> memref<12800xf32, #tpu.memory_space<vmem>>
    %dma_start3A_303 = tpu.memref_slice %arg3[%select_n3A, %add3A_300] : memref<16x160000xf32, #tpu.memory_space<hbm>> -> memref<1x12800xf32, #tpu.memory_space<hbm>>
    %dma_start3A_304 = tpu.memref_squeeze %dma_start3A_303 : memref<1x12800xf32, #tpu.memory_space<hbm>> -> memref<12800xf32, #tpu.memory_space<hbm>>
    %dma_start3A_305 = tpu.memref_slice %arg3[%select_n3A, %add3A_300] : memref<16x160000xf32, #tpu.memory_space<hbm>> -> memref<1x12800xf32, #tpu.memory_space<hbm>>
    %dma_start3A_306 = tpu.memref_squeeze %dma_start3A_305 : memref<1x12800xf32, #tpu.memory_space<hbm>> -> memref<12800xf32, #tpu.memory_space<hbm>>
    %dma_start3A_307 = arith.constant 0 : i32
    %dma_start3A_308 = tpu.memref_slice %arg7[%dma_start3A_307] : memref<16000xf32, #tpu.memory_space<vmem>> -> memref<12800xf32, #tpu.memory_space<vmem>>
    tpu.enqueue_dma source(%dma_start3A_308 : memref<12800xf32, #tpu.memory_space<vmem>>) target(%dma_start3A_306 : memref<12800xf32, #tpu.memory_space<hbm>>) target_semaphore(%arg11 : memref<!tpu.dma_semaphore, #tpu.memory_space<semaphore_mem>>)
    %mul3A_309 = arith.constant 240000 : i32
    %mul3A_310 = arith.muli %select_n3A_30, %mul3A_309 : i32
    %add3A_311 = arith.constant 230400 : i32
    %add3A_312 = arith.addi %mul3A_310, %add3A_311 : i32
    %dma_wait3A_313 = arith.constant 0 : i32
    %dma_wait3A_314 = tpu.memref_slice %arg4[%dma_wait3A_313] : memref<48000xf32, #tpu.memory_space<vmem>> -> memref<9600xf32, #tpu.memory_space<vmem>>
    %dma_wait3A_315 = tpu.memref_slice %arg2[%select_n3A, %add3A_312] : memref<16x480000xf32, #tpu.memory_space<hbm>> -> memref<1x9600xf32, #tpu.memory_space<hbm>>
    %dma_wait3A_316 = tpu.memref_squeeze %dma_wait3A_315 : memref<1x9600xf32, #tpu.memory_space<hbm>> -> memref<9600xf32, #tpu.memory_space<hbm>>
    %dma_wait3A_317 = arith.constant 0 : i32
    %dma_wait3A_318 = tpu.memref_slice %arg4[%dma_wait3A_317] : memref<48000xf32, #tpu.memory_space<vmem>> -> memref<9600xf32, #tpu.memory_space<vmem>>
    %dma_wait3A_319 = tpu.memref_slice %arg2[%select_n3A, %add3A_312] : memref<16x480000xf32, #tpu.memory_space<hbm>> -> memref<1x9600xf32, #tpu.memory_space<hbm>>
    %dma_wait3A_320 = tpu.memref_squeeze %dma_wait3A_319 : memref<1x9600xf32, #tpu.memory_space<hbm>> -> memref<9600xf32, #tpu.memory_space<hbm>>
    tpu.wait_dma2 semaphore(%arg8 : memref<!tpu.dma_semaphore, #tpu.memory_space<semaphore_mem>>) src(%dma_wait3A_320 : memref<9600xf32, #tpu.memory_space<hbm>>) dst(%dma_wait3A_318 : memref<9600xf32, #tpu.memory_space<vmem>>)
    %dma_wait3A_321 = arith.constant 0 : i32
    %dma_wait3A_322 = tpu.memref_slice %arg6[%dma_wait3A_321] : memref<16000xf32, #tpu.memory_space<vmem>> -> memref<16000xf32, #tpu.memory_space<vmem>>
    %dma_wait3A_323 = tpu.memref_slice %arg3[%select_n3A, %add3A_253] : memref<16x160000xf32, #tpu.memory_space<hbm>> -> memref<1x16000xf32, #tpu.memory_space<hbm>>
    %dma_wait3A_324 = tpu.memref_squeeze %dma_wait3A_323 : memref<1x16000xf32, #tpu.memory_space<hbm>> -> memref<16000xf32, #tpu.memory_space<hbm>>
    %dma_wait3A_325 = tpu.memref_slice %arg3[%select_n3A, %add3A_253] : memref<16x160000xf32, #tpu.memory_space<hbm>> -> memref<1x16000xf32, #tpu.memory_space<hbm>>
    %dma_wait3A_326 = tpu.memref_squeeze %dma_wait3A_325 : memref<1x16000xf32, #tpu.memory_space<hbm>> -> memref<16000xf32, #tpu.memory_space<hbm>>
    %dma_wait3A_327 = arith.constant 0 : i32
    %dma_wait3A_328 = tpu.memref_slice %arg6[%dma_wait3A_327] : memref<16000xf32, #tpu.memory_space<vmem>> -> memref<16000xf32, #tpu.memory_space<vmem>>
    tpu.wait_dma2 semaphore(%arg10 : memref<!tpu.dma_semaphore, #tpu.memory_space<semaphore_mem>>) src(%dma_wait3A_328 : memref<16000xf32, #tpu.memory_space<vmem>>) dst(%dma_wait3A_326 : memref<16000xf32, #tpu.memory_space<hbm>>)
    %parallel_loop3A_329 = arith.constant 0 : i32
    %parallel_loop3A_330 = arith.constant 200 : i32
    %parallel_loop3A_331 = arith.constant 1 : i32
    scf.for %parallel_loop3A_360 = %parallel_loop3A_329 to %parallel_loop3A_330 step %parallel_loop3A_331  : i32 {
      %parallel_loop3A_361 = arith.constant 48 : i32
      %parallel_loop3A_362 = arith.muli %parallel_loop3A_360, %parallel_loop3A_361 : i32
      %parallel_loop3A_363 = vector.broadcast %parallel_loop3A_362 : i32 to vector<16xi32>
      %parallel_loop3A_364 = arith.addi %mul3A_33, %parallel_loop3A_363 : vector<16xi32>
      %parallel_loop3A_365 = tpu.vector_load_idx %arg4[%parallel_loop3A_364] : memref<48000xf32, #tpu.memory_space<vmem>>[vector<16xi32>], vector<16xf32>,
      %parallel_loop3A_366 = arith.constant 16 : i32
      %parallel_loop3A_367 = arith.muli %parallel_loop3A_360, %parallel_loop3A_366 : i32
      %parallel_loop3A_368 = arith.index_cast %parallel_loop3A_367 : i32 to index
      %parallel_loop3A_369 = tpu.vector_load %arg6[%parallel_loop3A_368] {strides = array<i32>} : memref<16000xf32, #tpu.memory_space<vmem>>, vector<16xf32>,
      tpu.vector_store %arg6[%parallel_loop3A_368], %parallel_loop3A_365 {strides = array<i32>} : memref<16000xf32, #tpu.memory_space<vmem>>, vector<16xf32>,
    } {sc.loop_unroll_factor = 8 : i64, sc.parallel_access}
    %mul3A_332 = arith.constant 80000 : i32
    %mul3A_333 = arith.muli %select_n3A_30, %mul3A_332 : i32
    %add3A_334 = arith.constant 76800 : i32
    %add3A_335 = arith.addi %mul3A_333, %add3A_334 : i32
    %dma_start3A_336 = arith.constant 0 : i32
    %dma_start3A_337 = tpu.memref_slice %arg6[%dma_start3A_336] : memref<16000xf32, #tpu.memory_space<vmem>> -> memref<3200xf32, #tpu.memory_space<vmem>>
    %dma_start3A_338 = tpu.memref_slice %arg3[%select_n3A, %add3A_335] : memref<16x160000xf32, #tpu.memory_space<hbm>> -> memref<1x3200xf32, #tpu.memory_space<hbm>>
    %dma_start3A_339 = tpu.memref_squeeze %dma_start3A_338 : memref<1x3200xf32, #tpu.memory_space<hbm>> -> memref<3200xf32, #tpu.memory_space<hbm>>
    %dma_start3A_340 = tpu.memref_slice %arg3[%select_n3A, %add3A_335] : memref<16x160000xf32, #tpu.memory_space<hbm>> -> memref<1x3200xf32, #tpu.memory_space<hbm>>
    %dma_start3A_341 = tpu.memref_squeeze %dma_start3A_340 : memref<1x3200xf32, #tpu.memory_space<hbm>> -> memref<3200xf32, #tpu.memory_space<hbm>>
    %dma_start3A_342 = arith.constant 0 : i32
    %dma_start3A_343 = tpu.memref_slice %arg6[%dma_start3A_342] : memref<16000xf32, #tpu.memory_space<vmem>> -> memref<3200xf32, #tpu.memory_space<vmem>>
    tpu.enqueue_dma source(%dma_start3A_343 : memref<3200xf32, #tpu.memory_space<vmem>>) target(%dma_start3A_341 : memref<3200xf32, #tpu.memory_space<hbm>>) target_semaphore(%arg10 : memref<!tpu.dma_semaphore, #tpu.memory_space<semaphore_mem>>)
    %dma_wait3A_344 = arith.constant 0 : i32
    %dma_wait3A_345 = tpu.memref_slice %arg6[%dma_wait3A_344] : memref<16000xf32, #tpu.memory_space<vmem>> -> memref<3200xf32, #tpu.memory_space<vmem>>
    %dma_wait3A_346 = tpu.memref_slice %arg3[%select_n3A, %add3A_335] : memref<16x160000xf32, #tpu.memory_space<hbm>> -> memref<1x3200xf32, #tpu.memory_space<hbm>>
    %dma_wait3A_347 = tpu.memref_squeeze %dma_wait3A_346 : memref<1x3200xf32, #tpu.memory_space<hbm>> -> memref<3200xf32, #tpu.memory_space<hbm>>
    %dma_wait3A_348 = tpu.memref_slice %arg3[%select_n3A, %add3A_335] : memref<16x160000xf32, #tpu.memory_space<hbm>> -> memref<1x3200xf32, #tpu.memory_space<hbm>>
    %dma_wait3A_349 = tpu.memref_squeeze %dma_wait3A_348 : memref<1x3200xf32, #tpu.memory_space<hbm>> -> memref<3200xf32, #tpu.memory_space<hbm>>
    %dma_wait3A_350 = arith.constant 0 : i32
    %dma_wait3A_351 = tpu.memref_slice %arg6[%dma_wait3A_350] : memref<16000xf32, #tpu.memory_space<vmem>> -> memref<3200xf32, #tpu.memory_space<vmem>>
    tpu.wait_dma2 semaphore(%arg10 : memref<!tpu.dma_semaphore, #tpu.memory_space<semaphore_mem>>) src(%dma_wait3A_351 : memref<3200xf32, #tpu.memory_space<vmem>>) dst(%dma_wait3A_349 : memref<3200xf32, #tpu.memory_space<hbm>>)
    %dma_wait3A_352 = arith.constant 0 : i32
    %dma_wait3A_353 = tpu.memref_slice %arg7[%dma_wait3A_352] : memref<16000xf32, #tpu.memory_space<vmem>> -> memref<12800xf32, #tpu.memory_space<vmem>>
    %dma_wait3A_354 = tpu.memref_slice %arg3[%select_n3A, %add3A_300] : memref<16x160000xf32, #tpu.memory_space<hbm>> -> memref<1x12800xf32, #tpu.memory_space<hbm>>
    %dma_wait3A_355 = tpu.memref_squeeze %dma_wait3A_354 : memref<1x12800xf32, #tpu.memory_space<hbm>> -> memref<12800xf32, #tpu.memory_space<hbm>>
    %dma_wait3A_356 = tpu.memref_slice %arg3[%select_n3A, %add3A_300] : memref<16x160000xf32, #tpu.memory_space<hbm>> -> memref<1x12800xf32, #tpu.memory_space<hbm>>
    %dma_wait3A_357 = tpu.memref_squeeze %dma_wait3A_356 : memref<1x12800xf32, #tpu.memory_space<hbm>> -> memref<12800xf32, #tpu.memory_space<hbm>>
    %dma_wait3A_358 = arith.constant 0 : i32
    %dma_wait3A_359 = tpu.memref_slice %arg7[%dma_wait3A_358] : memref<16000xf32, #tpu.memory_space<vmem>> -> memref<12800xf32, #tpu.memory_space<vmem>>
    tpu.wait_dma2 semaphore(%arg11 : memref<!tpu.dma_semaphore, #tpu.memory_space<semaphore_mem>>) src(%dma_wait3A_359 : memref<12800xf32, #tpu.memory_space<vmem>>) dst(%dma_wait3A_357 : memref<12800xf32, #tpu.memory_space<hbm>>)
    return
  }
}

</mosaic_0001>

<sc_bundles>
// kernel: kernel.3.cloned.1.call-start
scs
__scs_entry_jumppad:
0x0: {  	(pc) =	sbr.rel $0x88, $3  }
0x1: {  	(tag) =	ssettag $0x0;
	lr =	simm.s32 $0x1  }
0x2: {  	[smem:$0x3FA0] =	sst lr;
	_ =	strace $0xD0000000  }
0x3: {  	_ = 	snop  }
0x4: {  	_ = 	snop  }
0x5: {  	_ = 	snop  }
0x6: {  	_ = 	snop  }
0x7: {  	_ = 	snop  }
__scs_overlays_trampoline_lowered:
0x8: {  	[smem:$0x3FAF] =	sst s0  }
0x9: {  	[smem:$0x3FB0] =	sst s1  }
0xa: {  	[smem:$0x3FB1] =	sst s2  }
0xb: {  	[smem:$0x3FB2] =	sst s3  }
0xc: {  	[smem:$0x3FB3] =	sst s4  }
0xd: {  	[smem:$0x3FB4] =	sst s5  }
0xe: {  	[smem:$0x3FB5] =	sst s6  }
0xf: {  	[smem:$0x3FB6] =	sst s7  }
0x10: {  	[smem:$0x3FB7] =	sst s8  }
0x11: {  	[smem:$0x3FB8] =	sst s9;
	s0 =	simm.s32 @!p0 $0x0  }
0x12: {  	s1 =	sld [smem:$0x3F9E];
	s0 =	simm.s32 @p0 $0x1  }
0x13: {  	[smem:$0x3FB9] =	sst s0;
	s0 =	simm.s32 @!p1 $0x0  }
0x14: {  	s2 =	sld [smem:$0x3F9D];
	s0 =	simm.s32 @p1 $0x1  }
0x15: {  	[smem:$0x3FBA] =	sst s0;
	s0 =	simm.s32 @!p2 $0x0  }
0x16: {  	s3 =	sld [smem:$0x3FDB];
	s0 =	simm.s32 @p2 $0x1  }
0x17: {  	s4 =	simm.s32 $0x1BF5;
	[smem:$0x3FBC] =	sst s0  }
0x18: {  	s0 =	sld [smem:$0x3F9F];
	_ =	swait.ge [sflag:s4], $0x0  }
0x19: {  	s7 =	sld [smem:$0x3FA0]  }
0x1a: {  	s8 =	sadd.s32 $0xFFFFE003, lr  }
0x1b: {  	s9 =	sadd.s32 $0xFFFFFEF7, lr;
	s5 =	simm.s32 $0xFFFFFFFF;
	p2 =	slt.u32 s8, $0xFFFFF086  }
0x1c: {  	p1 =	slt.u32 s9, $0xF7A;
	s5 =	simm.s32 @!p2 $0x0  }
0x1d: {  	s5 =	simm.s32 @p1 $0x1;
	p0 =	seq.s32 s7, s2  }
0x1e: {  	s7 =	smul.u32 @!p0 $0xF7A, s2;
	p2 =	seq.s32 @!p0 s5, $0x0  }
0x1f: {  	s9 =	smul.u32 $0xF7A, s1;
	s8 =	simm.s32 @!p0 $0x1BF5;
	p2 =	por !p2, p0  }
0x20: {  	[sflag:s8] =	ssyncset.s32 @!p0 $0xFFFFF086;
	s6 =	sadd.s32 @!p0 s3, s7;
	s7 =	simm.s32 @!p0 $0x108  }
0x21: {  	s3 =	sadd.s32 s3, s9;
	s6 =	sadd.s32 @!p0 $0x88, s6;
	s7 =	simm.s32 @p2 $0x1082  }
0x22: {  	[simem:s7], [sflag:s8] =	dma.local @!p0 [hbm:s6], $0xF7A  }
0x23: {  	s9 =	sor.u32 $0xD0000000, s2;
	s6 =	simm.s32 $0x108;
	_ =	swait.ge @!p0 [sflag:s8], $0x0  }
0x24: {  	s3 =	sadd.s32 $0x88, s3;
	s6 =	simm.s32 @!p1 $0x1082;
	[sflag:s4] =	ssyncset.s32 $0xFFFFF086  }
0x25: {  	[simem:s6], [sflag:s4] =	dma.local [hbm:s3], $0xF7A  }
0x26: {  	[smem:$0x3FA0] =	sst s1;
	(tag) =	ssettag s2;
	_ =	strace s9  }
0x27: {  	s1 =	sld [smem:$0x3FB0]  }
0x28: {  	s2 =	sld [smem:$0x3FB1]  }
0x29: {  	s4 =	sld [smem:$0x3FB3]  }
0x2a: {  	p0 =	seq.s32 s5, $0x0;
	s5 =	sld [smem:$0x3FB4]  }
0x2b: {  	s6 =	sld [smem:$0x3FB5]  }
0x2c: {  	s7 =	sld [smem:$0x3FB6]  }
0x2d: {  	s3 =	simm.s32 $0x108;
	s8 =	sld [smem:$0x3FB7]  }
0x2e: {  	s3 =	simm.s32 @!p0 $0x1082;
	s9 =	sld [smem:$0x3FB8]  }
0x2f: {  	lr =	sadd.s32 s0, s3;
	s0 =	sld [smem:$0x3FAF]  }
0x30: {  	s3 =	sld [smem:$0x3FB2]  }
0x31: {  	[smem:$0x3FBB] =	sst s10  }
0x32: {  	s10 =	sld [smem:$0x3FB9];
	_ =	sdelay $0x3  }
0x33: {  	p0 =	seq.s32 s10, $0x1;
	s10 =	sld [smem:$0x3FBB];
	_ =	sdelay $0x3  }
0x34: {  	[smem:$0x3FBB] =	sst s10  }
0x35: {  	s10 =	sld [smem:$0x3FBA];
	_ =	sdelay $0x3  }
0x36: {  	p1 =	seq.s32 s10, $0x1;
	s10 =	sld [smem:$0x3FBB];
	_ =	sdelay $0x3  }
0x37: {  	[smem:$0x3FBB] =	sst s10  }
0x38: {  	s10 =	sld [smem:$0x3FBC]  }
0x39: {  	_ = 	snop;
	(pc) =	sbr.ind lr, $3  }
0x3a: {  	_ = 	snop  }
0x3b: {  	_ = 	snop  }
0x3c: {  	p2 =	seq.s32 s10, $0x1;
	s10 =	sld [smem:$0x3FBB]  }
0x3d: {  	_ =	shalt  }
0x3e: {  	_ =	shalt  }
0x3f: {  	_ =	shalt  }
0x40: {  	_ =	shalt  }
0x41: {  	_ =	shalt  }
0x42: {  	_ =	shalt  }
0x43: {  	_ =	shalt  }
0x44: {  	_ =	shalt  }
0x45: {  	_ =	shalt  }
0x46: {  	_ =	shalt  }
0x47: {  	_ =	shalt  }
0x48: {  	_ =	shalt  }
0x49: {  	_ =	shalt  }
0x4a: {  	_ =	shalt  }
0x4b: {  	_ =	shalt  }
0x4c: {  	_ =	shalt  }
0x4d: {  	_ =	shalt  }
0x4e: {  	_ =	shalt  }
0x4f: {  	_ =	shalt  }
0x50: {  	_ =	shalt  }
0x51: {  	_ =	shalt  }
0x52: {  	_ =	shalt  }
0x53: {  	_ =	shalt  }
0x54: {  	_ =	shalt  }
0x55: {  	_ =	shalt  }
0x56: {  	_ =	shalt  }
0x57: {  	_ =	shalt  }
0x58: {  	_ =	shalt  }
0x59: {  	_ =	shalt  }
0x5a: {  	_ =	shalt  }
0x5b: {  	_ =	shalt  }
0x5c: {  	_ =	shalt  }
0x5d: {  	_ =	shalt  }
0x5e: {  	_ =	shalt  }
0x5f: {  	_ =	shalt  }
0x60: {  	_ =	shalt  }
0x61: {  	_ =	shalt  }
0x62: {  	_ =	shalt  }
0x63: {  	_ =	shalt  }
0x64: {  	_ =	shalt  }
0x65: {  	_ =	shalt  }
0x66: {  	_ =	shalt  }
0x67: {  	_ =	shalt  }
0x68: {  	_ =	shalt  }
0x69: {  	_ =	shalt  }
0x6a: {  	_ =	shalt  }
0x6b: {  	_ =	shalt  }
0x6c: {  	_ =	shalt  }
0x6d: {  	_ =	shalt  }
0x6e: {  	_ =	shalt  }
0x6f: {  	_ =	shalt  }
0x70: {  	_ =	shalt  }
0x71: {  	_ =	shalt  }
0x72: {  	_ =	shalt  }
0x73: {  	_ =	shalt  }
0x74: {  	_ =	shalt  }
0x75: {  	_ =	shalt  }
0x76: {  	_ =	shalt  }
0x77: {  	_ =	shalt  }
0x78: {  	_ =	shalt  }
0x79: {  	_ =	shalt  }
0x7a: {  	_ =	shalt  }
0x7b: {  	_ =	shalt  }
0x7c: {  	_ =	shalt  }
0x7d: {  	_ =	shalt  }
0x7e: {  	_ =	shalt  }
0x7f: {  	_ =	shalt  }
0x80: {  	_ =	shalt  }
0x81: {  	_ =	shalt  }
0x82: {  	_ =	shalt  }
0x83: {  	_ =	shalt  }
0x84: {  	_ =	shalt  }
0x85: {  	_ =	shalt  }
0x86: {  	_ =	shalt  }
0x87: {  	_ =	shalt  }
.Lfunc_end0:
.L_simem_size_0:
called_computation_lowered:
.L_overlay_start_0:
0x88: {  	s2 =	sld [smem:$0x3FD9]  }
0x89: {  	s3 =	sld [smem:$0x3FFE];
	_ =	sdelay $0x1  }
0x8a: {  	s1 =	srdreg.scid  }
0x8b: {  	s0 =	sand.u32 $0x1, s1  }
0x8c: {  	s18 =	sshll.u32 s0, $0xA;
	s2 =	sadd.s32 s3, s2  }
0x8d: {  	s2 =	sadd.s32 s2, s18  }
0x8e: {  	[smem:$0x3FC7] =	sst s2  }
0x8f: {  	_ = 	snop  }
0x90: {  	s2 =	sld [smem:$0x3FC9]  }
0x91: {  	s19 =	sld [smem:$0x3FD0];
	(tm) =	ssettm $0x1  }
0x92: {  	s4 =	sld [smem:$0x3FFB];
	_ =	sdelay $0x3  }
0x93: {  	_ =	strace s4  }
0x94: {  	s4 =	sld [smem:$0x3FFC];
	_ =	sdelay $0x3  }
0x95: {  	_ =	strace s4  }
0x96: {  	s4 =	sld [smem:$0x3FFD];
	_ =	sdelay $0x3  }
0x97: {  	_ =	strace s4  }
0x98: {  	_ =	strace $0x8FFFFFFF  }
0x99: {  	s20 =	sld [smem:$0x3FDB];
	_ =	sdelay $0x1  }
0x9a: {  	s5 =	simm.s32 $_scs_section_size  }
0x9b: {  	s6 =	simm.s32 $_size__tile_overlayer_lowered;
	s7 =	simm.s32 $_tile_overlayer_lowered  }
0x9c: {  	s23 =	simm.s32 $0x1BFF;
	s22 =	sshll.u32 s7, $0x1;
	s4 =	sadd.s32 s5, s20  }
0x9d: {  	s8 =	simm.s32 $0x0;
	s21 =	sshll.u32 s6, $0x1;
	s6 =	sadd.s32 s22, s4  }
0x9e: {  	[timem:s8], [sflag:s23] =	dma.local [hbm:s6], s21  }
0x9f: {  	_ =	swait.ge [sflag:s23], s21  }
0xa0: {  	s5 =	ssub.s32 $0x0, s21;
	[sflag:s23] =	ssyncset.done $0x0  }
0xa1: {  	[sflag:s23] =	ssyncadd.s32 s5;
	_ =	sdelay $0x1  }
0xa2: {  	s24 =	simm.s32 $0x1B8B  }
0xa3: {  	_ =	swait.ge [sflag:s24], $0x1  }
0xa4: {  	[sflag:s24] =	ssyncset.done $0x0  }
0xa5: {  	s25 =	simm.s32 $0x1B8E;
	[sflag:s24] =	ssyncadd.s32 $0xFFFFFFFF  }
0xa6: {  	s26 =	simm.s32 $execute0_lowered;
	[smem:$0x3FD2] =	sst s25  }
0xa7: {  	s5 =	sshll.u32 s26, $0x1;
	_ =	strace $0x80000046;
	[dreg:$0x1] =	wrdreg $0xFFFFFFFF  }
0xa8: {  	s28 =	simm.s32 $_size_execute0_lowered;
	s4 =	sadd.s32 s4, s5;
	[dreg:$0x0] =	wrdreg $0x0  }
0xa9: {  	s5 =	sshll.u32 s28, $0x1;
	[dreg:$0x2] =	wrdreg s4  }
0xaa: {  	[dreg:$0x3] =	wrdreg s5  }
0xab: {  	[dreg:$0x4] =	wrdreg $0xC0  }
0xac: {  	_ =	task [dreg:s8], $0x5FFFF  }
0xad: {  	[dreg:$0x1] =	wrdreg $0xFFFFFFFF  }
0xae: {  	[dreg:$0x0] =	wrdreg $0x60  }
0xaf: {  	[dreg:$0x2] =	wrdreg s2  }
0xb0: {  	[dreg:$0x3] =	wrdreg s19  }
0xb1: {  	[dreg:$0x4] =	wrdreg $0x9  }
0xb2: {  	_ =	task.clear_ibuf [dreg:s8], $0x5FFFF;
	_ =	strace $0x90000046  }
0xb3: {  	s29 =	simm.s32 $0x9;
	_ =	strace $0x80000048  }
0xb4: {  	_ =	swait.ge [sflag:s29], $0x1  }
0xb5: {  	[sflag:s29] =	ssyncadd.s32 $0xFFFFFFFF  }
0xb6: {  	_ =	strace $0x90000048  }
0xb7: {  	_ =	sfence  }
0xb8: {  	s30 =	sld [smem:$0x0];
	_ =	sdelay $0x2  }
0xb9: {  	s31 =	sshll.u32 s1, $0xD;
	s1 =	sshrl.u32 s1, $0x2  }
0xba: {  	s3 =	sand.u32 $0x4000, s31;
	s1 =	sadd.s32 s1, s30  }
0xbb: {  	s0 =	sor.u32 s3, s0;
	s1 =	sshll.u32 s1, $0x11  }
0xbc: {  	s0 =	sor.u32 s1, s0  }
0xbd: {  	s0 =	sadd.s32 $0x8F2B, s0  }
0xbe: {  	[sflag:s0] =	ssyncadd.remote.s32 $0x1  }
0xbf: {  	_ =	sfence.sel $0xFFFF  }
0xc0: {  	[dreg:$0x0] =	wrdreg $0xFFFFFFFF;
	(pc) =	sbr.abs _section_cstart, $3  }
0xc1: {  	[dreg:$0x1] =	wrdreg $0xFFFFFFFF  }
0xc2: {  	_ =	task.clear_ibuf [dreg:s8], $0x2FFFF;
	_ =	strace $0x9FFFFFFF  }
0xc3: {  	(tm) =	ssettm $0x7FFFFFFF  }
tec
execute0_lowered:
.L_overlay_start_1:
0x0: {  	(tag) =	ssettag $0x1  }
0x1: {  	s1 =	srdreg.scid  }
0x2: {  	s0 =	stileid.u32;
	s3 =	sand.u32 $0x1, s1  }
0x3: {  	s1 =	sor.u32 s3, s0  }
0x4: {  	p1 =	seq.s32 s3, $0x1;
	p0 =	seq.s32 s1, $0x0  }
0x5: {  	p0 =	por !p0, !p1  }
0x6: {  	s1 =	simm.s32 $0x1;
	p0 =	por !p0, !p0  }
0x7: {  	s15 =	rddreg [dreg:$0x0];
	s1 =	simm.s32 @!p0 $0x0  }
0x8: {  	s17 =	rddreg [dreg:$0x1];
	s7 =	smul.u32 $0x1D4C00, s3;
	s4 =	ssub.s32 s0, s1  }
0x9: {  	s2 =	simm.s32 $0x0;
	s20 =	smul.u32 $0x9C400, s3;
	s5 =	sshrl.u32 s4, $0x3  }
0xa: {  	s28 =	simm.s32 $0x0;
	[smem:$0x7FF] =	sst s2;
	s6 =	smul.u32 $0x3A9800, s5  }
0xb: {  	_ =	strace $0x80000047;
	s8 =	ssub.s32 $0x2, s3;
	s5 =	smul.u32 $0x138800, s5  }
0xc: {  	s3 =	simm.s32 $0x1;
	s19 =	sshrl.u32 s8, $0x1;
	s4 =	sshll.u32 s4, $0x7  }
0xd: {  	s9 =	sand.u32 $0x380, s4;
	s18 =	sadd.s32 s7, s6;
	s23 =	sadd.s32 s20, s5  }
0xe: {  	s16 =	sor.u32 s9, s18;
	s18 =	ssub.s32 s8, s19;
	s19 =	sor.u32 s9, s23  }
0xf: {  	s23 =	simm.s32 $0x2;
	s21 =	sadd.s32 $0x12C00, s16;
	s22 =	sshrl.u32 s16, $0x3  }
0x10: {  	s26 =	sshrl.u32 s19, $0x3;
	s29 =	sadd.s32 $0x5DC00, s16;
	s8 =	sadd.s32 $0x6400, s19  }
0x11: {  	s30 =	sadd.s32 $0xBB800, s16;
	s10 =	sadd.s32 $0x1F400, s19;
	s11 =	sadd.s32 $0x119400, s16  }
0x12: {  	s12 =	sadd.s32 $0x3E800, s19;
	s13 =	sadd.s32 $0x177000, s16;
	s14 =	sadd.s32 $0x5DC00, s19  }
0x13: {  	s16 =	sadd.s32 $0x1C2000, s16;
	s20 =	sadd.s32 $0x7D000, s19;
	s19 =	sadd.s32 $0x96000, s19  }
0x14: {  	s18 =	smax.u32 s18, $0x1;
	s6 =	sshrl.u32 s21, $0x3;
	s24 =	sadd.s32 s15, s22  }
0x15: {  	s7 =	sshrl.u32 s29, $0x3;
	s8 =	sshrl.u32 s8, $0x3;
	s9 =	sshrl.u32 s30, $0x3  }
0x16: {  	s10 =	sshrl.u32 s10, $0x3;
	s11 =	sshrl.u32 s11, $0x3;
	s12 =	sshrl.u32 s12, $0x3  }
0x17: {  	s13 =	sshrl.u32 s13, $0x3;
	s14 =	sshrl.u32 s14, $0x3;
	s16 =	sshrl.u32 s16, $0x3  }
0x18: {  	s31 =	sshrl.u32 s20, $0x3;
	s19 =	sshrl.u32 s19, $0x3;
	s20 =	simm.s32 $0x400  }
0x19: {  	s21 =	simm.s32 $0xBB80;
	s22 =	simm.s32 $0x17700;
	[dreg:$0x3] =	wrdreg s24  }
0x1a: {  	s25 =	sadd.s32 s15, s6;
	s6 =	sadd.s32 s17, s26;
	s7 =	sadd.s32 s15, s7  }
0x1b: {  	s8 =	sadd.s32 s17, s8;
	s9 =	sadd.s32 s15, s9;
	s10 =	sadd.s32 s17, s10  }
0x1c: {  	v0 =	vlaneseq.u32;
	s11 =	sadd.s32 s15, s11;
	s12 =	sadd.s32 s17, s12;
	s13 =	sadd.s32 s15, s13  }
0x1d: {  	v0 =	vmul.u32 $0x3, v0;
	s14 =	sadd.s32 s17, s14;
	s15 =	sadd.s32 s15, s16;
	s16 =	sadd.s32 s17, s31  }
0x1e: {  	v1 =	vimm.s32 $0x0;
	vm0 =	vcmask $0x300;
	s17 =	sadd.s32 s17, s19;
	s19 =	simm.s32 $0x80;
	s24 =	simm.s32 $0x1B580  }
0x1f: {  	v1 =	vsel vm0, $0x7, v1;
	v2 =	vor.u32 $0x40, v0;
	s26 =	simm.s32 $0x4;
	[dreg:$0x4] =	wrdreg s25;
	s25 =	simm.s32 $0x3  }
.LBB2_1:
0x20: {  	s0 =	rddreg [dreg:$0x3];
	s29 =	simm.s32 $0xC0;
	s30 =	simm.s32 $0x30  }
0x21: {  	v3 =	vmov s2;
	[tilespmem:s2], [sflag:$0x1] =	stream.strided.gather [hbm4b:s0+s19], $0x2580, s20, s19, $0x38;
	[tilespmem:$0x1F400] =	vst v63  }
0x22: {  	s4 =	rddreg [dreg:$0x4];
	v3 =	vshrl.u32 v3, $0x7;
	v4 =	vmov s29;
	s29 =	simm.s32 $0x60;
	v5 =	vadd.s32 s30, v0;
	s30 =	simm.s32 $0x90  }
0x23: {  	v3 =	vshll.u32 v3, v1;
	v4 =	vshrl.u32 v4, $0x7;
	v6 =	vadd.s32 s29, v0;
	[tilespmem:s21], [sflag:$0x2] =	stream.strided.gather [hbm4b:s4+s19], $0x9600, s20, s19, $0x38;
	[tilespmem:$0x1F400] =	vst v63  }
0x24: {  	v7 =	vadd.s32 s30, v0;
	s29 =	simm.s32 $0xF0;
	v3 =	vbroadcast v3, $0x0;
	v4 =	vshll.u32 v4, v1;
	_ =	swait.ge [sflag:s3], $0x2580  }
0x25: {  	v8 =	vadd.s32 s29, v0;
	v4 =	vbroadcast v4, $0x0;
	[sflag:s3] =	ssyncset.done $0x0  }
0x26: {  	v3 =	vor.u32 v0, v3;
	[sflag:s3] =	ssyncadd.s32 $0xFFFFDA80  }
0x27: {  	s30 =	simm.s32 $0x120;
	s29 =	simm.s32 $0x180;
	v4 =	vor.u32 v2, v4;
	v9 =	vld.idx.msk [tilespmem:v5+s2+$0x0], $0xffff  }
0x28: {  	s31 =	simm.s32 $0x150;
	v10 =	vmov s29;
	v5 =	vadd.s32 s30, v0;
	v11 =	vld.idx.msk [tilespmem:v6+s2+$0x0], $0xffff  }
0x29: {  	s29 =	simm.s32 $0x240;
	v10 =	vshrl.u32 v10, $0x7;
	v6 =	vadd.s32 s31, v0;
	s30 =	simm.s32 $0x1B0;
	v7 =	vld.idx.msk [tilespmem:v7+s2+$0x0], $0xffff  }
0x2a: {  	v12 =	vmov s29;
	v10 =	vshll.u32 v10, v1;
	v13 =	vadd.s32 s30, v0;
	s30 =	simm.s32 $0x210;
	v8 =	vld.idx.msk [tilespmem:v8+s2+$0x0], $0xffff  }
0x2b: {  	s29 =	simm.s32 $0x1E0;
	v12 =	vshrl.u32 v12, $0x7;
	v16 =	vadd.s32 s30, v0;
	v14 =	vld.idx.msk [tilespmem:v3+s2+$0x0], $0xffff;
	v3 =	vbroadcast v10, $0x0  }
0x2c: {  	v12 =	vshll.u32 v12, v1;
	v10 =	vadd.s32 s29, v0;
	v15 =	vld.idx.msk [tilespmem:v4+s2+$0x0], $0xffff  }
0x2d: {  	s29 =	simm.s32 $0x270;
	v4 =	vbroadcast v12, $0x0;
	v17 =	vor.u32 v0, v3;
	v20 =	vld.idx.msk [tilespmem:v5+s2+$0x0], $0xffff  }
0x2e: {  	s30 =	simm.s32 $0x2A0;
	v19 =	vadd.s32 s29, v0;
	v12 =	vld.idx.msk [tilespmem:v6+s2+$0x0], $0xffff  }
0x2f: {  	s31 =	simm.s32 $0x2D0;
	v18 =	vor.u32 v2, v4;
	v3 =	vld.idx.msk [tilespmem:v13+s2+$0x0], $0xffff;
	v13 =	vadd.s32 s30, v0;
	s30 =	simm.s32 $0x300  }
0x30: {  	v21 =	vadd.s32 s31, v0;
	s31 =	simm.s32 $0x330;
	s29 =	simm.s32 $0x17740;
	v5 =	vmov s30;
	s30 =	simm.s32 $0x3C0;
	v6 =	vld.idx.msk [tilespmem:v16+s2+$0x0], $0xffff  }
0x31: {  	v22 =	vadd.s32 s31, v0;
	v4 =	vld.idx.msk [tilespmem:v10+s2+$0x0], $0xffff;
	v10 =	vshrl.u32 v5, $0x7;
	[tilespmem:s29+$0x0] =	vst v15;
	v15 =	vmov s30  }
0x32: {  	[tilespmem:s29+$0xFFFFFFD0] =	vst v9;
	v10 =	vshll.u32 v10, v1;
	s30 =	simm.s32 $0x360;
	v5 =	vld.idx.msk [tilespmem:v17+s2+$0x0], $0xffff;
	v15 =	vshrl.u32 v15, $0x7  }
0x33: {  	s31 =	simm.s32 $0x390;
	[tilespmem:s29+$0xFFFFFFE0] =	vst v11;
	v9 =	vbroadcast v10, $0x0;
	v10 =	vld.idx.msk [tilespmem:v19+s2+$0x0], $0xffff;
	v16 =	vadd.s32 s30, v0;
	v15 =	vshll.u32 v15, v1  }
0x34: {  	[tilespmem:s29+$0xFFFFFFC0] =	vst v14;
	v17 =	vadd.s32 s31, v0;
	v14 =	vld.idx.msk [tilespmem:v18+s2+$0x0], $0xffff;
	v19 =	vbroadcast v15, $0x0  }
0x35: {  	s1 =	simm.s32 $0x3F0;
	[tilespmem:s29+$0xFFFFFFF0] =	vst v7;
	v11 =	vld.idx.msk [tilespmem:v13+s2+$0x0], $0xffff;
	v18 =	vor.u32 v0, v9  }
0x36: {  	s5 =	simm.s32 $0x420;
	s4 =	simm.s32 $0x450;
	v7 =	vadd.s32 s1, v0;
	[tilespmem:s29+$0x10] =	vst v8;
	v13 =	vld.idx.msk [tilespmem:v22+s2+$0x0], $0xffff;
	v19 =	vor.u32 v2, v19  }
0x37: {  	v8 =	vadd.s32 s5, v0;
	s30 =	simm.s32 $0x10;
	s31 =	simm.s32 $0x480;
	[tilespmem:s29+$0x20] =	vst v20;
	v15 =	vld.idx.msk [tilespmem:v21+s2+$0x0], $0xffff;
	v9 =	vadd.s32 s4, v0  }
.LBB2_2:
0x38: {  	v20 =	vmov s31;
	s0 =	sadd.s32 $0xC0, s31;
	s30 =	sadd.s32 $0x8, s30;
	v21 =	vld.idx.msk [tilespmem:v16+s2+$0x0], $0xffff;
	[tilespmem:s29+$0x30] =	vst v12;
	s29 =	sadd.s32 $0x80, s29  }
0x39: {  	s1 =	sadd.s32 $0x30, s31;
	s4 =	sadd.s32 $0x60, s31;
	v12 =	vshrl.u32 v20, $0x7;
	v16 =	vmov s0;
	p0 =	slt.u32 s30, $0xC0;
	v20 =	vld.idx.msk [tilespmem:v17+s2+$0x0], $0xffff;
	[tilespmem:s29+$0x0] =	vst v14  }
0x3a: {  	s5 =	sadd.s32 $0x120, s31;
	v22 =	vadd.s32 s1, v0;
	s0 =	sadd.s32 $0x90, s31;
	s1 =	sadd.s32 $0xF0, s31;
	v23 =	vmovc v10;
	v25 =	vshll.u32 v12, v1;
	v14 =	vshrl.u32 v16, $0x7;
	[tilespmem:s29+$0xFFFFFFC0] =	vst v5;
	v5 =	vld.idx.msk [tilespmem:v18+s2+$0x0], $0xffff  }
.Ltmp0:
0x3b: {  	v16 =	vadd.s32 s4, v0;
	s4 =	sadd.s32 $0x150, s31;
	v24 =	vmovc v11;
	v18 =	vbroadcast v25, $0x0;
	v10 =	vshll.u32 v14, v1;
	v14 =	vld.idx.msk [tilespmem:v19+s2+$0x0], $0xffff;
	[tilespmem:s29+$0xFFFFFFD0] =	vst v3;
	(pc) =	sbr.rel @p0 .LBB2_2-.Ltmp0, $4  }
0x3c: {  	v17 =	vadd.s32 s0, v0;
	v19 =	vbroadcast v10, $0x0;
	v10 =	vld.idx.msk [tilespmem:v7+s2+$0x0], $0xffff;
	v7 =	vadd.s32 s1, v0;
	[tilespmem:s29+$0xFFFFFFE0] =	vst v4;
	v12 =	vmovc v15  }
0x3d: {  	v25 =	vadd.s32 s4, v0;
	v3 =	vmovc v13;
	v18 =	vor.u32 v0, v18;
	v11 =	vld.idx.msk [tilespmem:v8+s2+$0x0], $0xffff;
	v8 =	vadd.s32 s5, v0;
	[tilespmem:s29+$0xFFFFFFF0] =	vst v6  }
0x3e: {  	v4 =	vmov v21;
	v19 =	vor.u32 v2, v19;
	v15 =	vld.idx.msk [tilespmem:v9+s2+$0x0], $0xffff;
	[tilespmem:s29+$0x10] =	vst v23;
	v9 =	vmov v25  }
0x3f: {  	s31 =	sadd.s32 $0x180, s31;
	v6 =	vmov v20;
	v13 =	vld.idx.msk [tilespmem:v22+s2+$0x0], $0xffff;
	[tilespmem:s29+$0x20] =	vst v24  }
0x40: {  	[tilespmem:s29+$0x30] =	vst v12;
	s0 =	sadd.s32 $0x80, s29  }
0x41: {  	[tilespmem:s0+$0x0] =	vst v14  }
0x42: {  	[tilespmem:s0+$0xFFFFFFC0] =	vst v5  }
0x43: {  	[tilespmem:s0+$0xFFFFFFD0] =	vst v3  }
0x44: {  	[tilespmem:s0+$0xFFFFFFE0] =	vst v4  }
0x45: {  	v3 =	vld.idx.msk [tilespmem:v19+s2+$0x0], $0xffff;
	[tilespmem:s0+$0xFFFFFFF0] =	vst v6  }
0x46: {  	v4 =	vld.idx.msk [tilespmem:v18+s2+$0x0], $0xffff;
	[tilespmem:s0+$0x10] =	vst v10  }
0x47: {  	v7 =	vld.idx.msk [tilespmem:v7+s2+$0x0], $0xffff;
	[tilespmem:s0+$0x20] =	vst v11  }
0x48: {  	v5 =	vld.idx.msk [tilespmem:v16+s2+$0x0], $0xffff;
	[tilespmem:s0+$0x30] =	vst v15;
	s0 =	sadd.s32 $0x80, s0  }
0x49: {  	v6 =	vld.idx.msk [tilespmem:v17+s2+$0x0], $0xffff;
	[tilespmem:s0+$0xFFFFFFD0] =	vst v13  }
0x4a: {  	[tilespmem:s0+$0x0] =	vst v3;
	v3 =	vld.idx.msk [tilespmem:v8+s2+$0x0], $0xffff  }
0x4b: {  	[tilespmem:s0+$0xFFFFFFC0] =	vst v4;
	v4 =	vld.idx.msk [tilespmem:v9+s2+$0x0], $0xffff  }
0x4c: {  	[tilespmem:s0+$0x10] =	vst v7  }
0x4d: {  	[tilespmem:s0+$0xFFFFFFE0] =	vst v5  }
0x4e: {  	[tilespmem:s0+$0xFFFFFFF0] =	vst v6  }
0x4f: {  	[tilespmem:s0+$0x20] =	vst v3  }
0x50: {  	s4 =	simm.s32 $0x0;
	s5 =	simm.s32 $0xC0;
	[tilespmem:s0+$0x30] =	vst v4  }
0x51: {  	v3 =	vmov s4;
	[hbm4b:s6+s19] =	stream.strided.scatter [tilespmem:s22], [sflag:$0x3], $0xC80, s20, s19, $0x38;
	[tilespmem:$0x1F400] =	vst v63  }
0x52: {  	s1 =	simm.s32 $0x30;
	v4 =	vmov s5;
	s5 =	simm.s32 $0x90;
	v3 =	vshrl.u32 v3, $0x7  }
0x53: {  	v5 =	vadd.s32 s1, v0;
	v4 =	vshrl.u32 v4, $0x7;
	v3 =	vshll.u32 v3, v1;
	[tilespmem:s4], [sflag:$0x1] =	stream.strided.gather [hbm4b:s7+s19], $0xBB80, s20, s19, $0x38;
	[tilespmem:$0x1F400] =	vst v63  }
0x54: {  	v7 =	vadd.s32 s5, v0;
	v4 =	vshll.u32 v4, v1;
	s4 =	simm.s32 $0x60;
	v3 =	vbroadcast v3, $0x0  }
0x55: {  	v4 =	vbroadcast v4, $0x0;
	v6 =	vadd.s32 s4, v0;
	_ =	swait.ge [sflag:s23], $0x9600  }
0x56: {  	[sflag:s23] =	ssyncset.done $0x0;
	v3 =	vor.u32 v0, v3  }
0x57: {  	s4 =	simm.s32 $0xF0;
	v4 =	vor.u32 v2, v4;
	[sflag:s23] =	ssyncadd.s32 $0xFFFF6A00  }
0x58: {  	s1 =	simm.s32 $0x120;
	s5 =	simm.s32 $0x180;
	v8 =	vadd.s32 s4, v0;
	v9 =	vld.idx.msk [tilespmem:v5+s21+$0x0], $0xffff  }
0x59: {  	v10 =	vmov s5;
	s5 =	simm.s32 $0x1B0;
	v5 =	vadd.s32 s1, v0;
	v7 =	vld.idx.msk [tilespmem:v7+s21+$0x0], $0xffff  }
0x5a: {  	v10 =	vshrl.u32 v10, $0x7;
	v13 =	vadd.s32 s5, v0;
	s4 =	simm.s32 $0x150;
	s1 =	simm.s32 $0x240;
	v11 =	vld.idx.msk [tilespmem:v6+s21+$0x0], $0xffff  }
0x5b: {  	s5 =	simm.s32 $0x210;
	v10 =	vshll.u32 v10, v1;
	v12 =	vmov s1;
	v6 =	vadd.s32 s4, v0;
	v14 =	vld.idx.msk [tilespmem:v3+s21+$0x0], $0xffff  }
0x5c: {  	v16 =	vadd.s32 s5, v0;
	s4 =	simm.s32 $0x1E0;
	v12 =	vshrl.u32 v12, $0x7;
	v3 =	vbroadcast v10, $0x0;
	v15 =	vld.idx.msk [tilespmem:v4+s21+$0x0], $0xffff  }
0x5d: {  	v10 =	vadd.s32 s4, v0;
	v12 =	vshll.u32 v12, v1;
	v8 =	vld.idx.msk [tilespmem:v8+s21+$0x0], $0xffff  }
0x5e: {  	s4 =	simm.s32 $0x270;
	v4 =	vbroadcast v12, $0x0;
	v17 =	vor.u32 v0, v3;
	v20 =	vld.idx.msk [tilespmem:v5+s21+$0x0], $0xffff  }
0x5f: {  	s5 =	simm.s32 $0x2A0;
	v19 =	vadd.s32 s4, v0;
	v3 =	vld.idx.msk [tilespmem:v13+s21+$0x0], $0xffff  }
0x60: {  	v13 =	vadd.s32 s5, v0;
	s5 =	simm.s32 $0x300;
	v18 =	vor.u32 v2, v4;
	v12 =	vld.idx.msk [tilespmem:v6+s21+$0x0], $0xffff  }
0x61: {  	s29 =	simm.s32 $0x1B5C0;
	s1 =	simm.s32 $0x3C0;
	s4 =	simm.s32 $0x2D0;
	v5 =	vmov s5;
	v6 =	vld.idx.msk [tilespmem:v16+s21+$0x0], $0xffff  }
0x62: {  	v21 =	vadd.s32 s4, v0;
	s4 =	simm.s32 $0x330;
	v4 =	vld.idx.msk [tilespmem:v10+s21+$0x0], $0xffff;
	[tilespmem:s29+$0x0] =	vst v15;
	v10 =	vshrl.u32 v5, $0x7;
	v15 =	vmov s1  }
0x63: {  	[tilespmem:s29+$0xFFFFFFD0] =	vst v9;
	v22 =	vadd.s32 s4, v0;
	s5 =	simm.s32 $0x360;
	v10 =	vshll.u32 v10, v1;
	v15 =	vshrl.u32 v15, $0x7;
	v5 =	vld.idx.msk [tilespmem:v17+s21+$0x0], $0xffff  }
0x64: {  	[tilespmem:s29+$0xFFFFFFF0] =	vst v7;
	v16 =	vadd.s32 s5, v0;
	s1 =	simm.s32 $0x390;
	v9 =	vbroadcast v10, $0x0;
	v15 =	vshll.u32 v15, v1;
	v10 =	vld.idx.msk [tilespmem:v19+s21+$0x0], $0xffff  }
0x65: {  	[tilespmem:s29+$0xFFFFFFC0] =	vst v14;
	v17 =	vadd.s32 s1, v0;
	v14 =	vld.idx.msk [tilespmem:v18+s21+$0x0], $0xffff;
	v19 =	vbroadcast v15, $0x0  }
0x66: {  	s4 =	simm.s32 $0x3F0;
	[tilespmem:s29+$0xFFFFFFE0] =	vst v11;
	v11 =	vld.idx.msk [tilespmem:v13+s21+$0x0], $0xffff;
	v18 =	vor.u32 v0, v9  }
0x67: {  	s0 =	simm.s32 $0x420;
	s5 =	simm.s32 $0x450;
	v7 =	vadd.s32 s4, v0;
	[tilespmem:s29+$0x10] =	vst v8;
	v15 =	vld.idx.msk [tilespmem:v21+s21+$0x0], $0xffff;
	v19 =	vor.u32 v2, v19  }
0x68: {  	s30 =	simm.s32 $0x10;
	s31 =	simm.s32 $0x480;
	v8 =	vadd.s32 s0, v0;
	[tilespmem:s29+$0x20] =	vst v20;
	v13 =	vld.idx.msk [tilespmem:v22+s21+$0x0], $0xffff;
	v9 =	vadd.s32 s5, v0  }
.LBB2_4:
0x69: {  	v20 =	vmov s31;
	s0 =	sadd.s32 $0xC0, s31;
	s30 =	sadd.s32 $0x8, s30;
	v21 =	vld.idx.msk [tilespmem:v16+s21+$0x0], $0xffff;
	[tilespmem:s29+$0x30] =	vst v12;
	s29 =	sadd.s32 $0x80, s29  }
0x6a: {  	s1 =	sadd.s32 $0x30, s31;
	s4 =	sadd.s32 $0x60, s31;
	v12 =	vshrl.u32 v20, $0x7;
	v16 =	vmov s0;
	p0 =	slt.u32 s30, $0x318;
	v20 =	vld.idx.msk [tilespmem:v17+s21+$0x0], $0xffff;
	[tilespmem:s29+$0x0] =	vst v14  }
0x6b: {  	s5 =	sadd.s32 $0x120, s31;
	v22 =	vadd.s32 s1, v0;
	s0 =	sadd.s32 $0x90, s31;
	s1 =	sadd.s32 $0xF0, s31;
	v23 =	vmovc v10;
	v25 =	vshll.u32 v12, v1;
	v14 =	vshrl.u32 v16, $0x7;
	[tilespmem:s29+$0xFFFFFFC0] =	vst v5;
	v5 =	vld.idx.msk [tilespmem:v18+s21+$0x0], $0xffff  }
.Ltmp1:
0x6c: {  	v16 =	vadd.s32 s4, v0;
	s4 =	sadd.s32 $0x150, s31;
	v24 =	vmovc v11;
	v18 =	vbroadcast v25, $0x0;
	v10 =	vshll.u32 v14, v1;
	v14 =	vld.idx.msk [tilespmem:v19+s21+$0x0], $0xffff;
	[tilespmem:s29+$0xFFFFFFD0] =	vst v3;
	(pc) =	sbr.rel @p0 .LBB2_4-.Ltmp1, $4  }
0x6d: {  	v17 =	vadd.s32 s0, v0;
	v19 =	vbroadcast v10, $0x0;
	v10 =	vld.idx.msk [tilespmem:v7+s21+$0x0], $0xffff;
	v7 =	vadd.s32 s1, v0;
	[tilespmem:s29+$0xFFFFFFE0] =	vst v4;
	v12 =	vmovc v15  }
0x6e: {  	v25 =	vadd.s32 s4, v0;
	v3 =	vmovc v13;
	v18 =	vor.u32 v0, v18;
	v11 =	vld.idx.msk [tilespmem:v8+s21+$0x0], $0xffff;
	v8 =	vadd.s32 s5, v0;
	[tilespmem:s29+$0xFFFFFFF0] =	vst v6  }
0x6f: {  	v4 =	vmov v21;
	v19 =	vor.u32 v2, v19;
	v15 =	vld.idx.msk [tilespmem:v9+s21+$0x0], $0xffff;
	[tilespmem:s29+$0x10] =	vst v23;
	v9 =	vmov v25  }
0x70: {  	s31 =	sadd.s32 $0x180, s31;
	v6 =	vmov v20;
	v13 =	vld.idx.msk [tilespmem:v22+s21+$0x0], $0xffff;
	[tilespmem:s29+$0x20] =	vst v24  }
0x71: {  	[tilespmem:s29+$0x30] =	vst v12;
	s0 =	sadd.s32 $0x80, s29  }
0x72: {  	[tilespmem:s0+$0x0] =	vst v14  }
0x73: {  	[tilespmem:s0+$0xFFFFFFC0] =	vst v5  }
0x74: {  	[tilespmem:s0+$0xFFFFFFD0] =	vst v3  }
0x75: {  	[tilespmem:s0+$0xFFFFFFE0] =	vst v4  }
0x76: {  	v3 =	vld.idx.msk [tilespmem:v19+s21+$0x0], $0xffff;
	[tilespmem:s0+$0xFFFFFFF0] =	vst v6  }
0x77: {  	v4 =	vld.idx.msk [tilespmem:v18+s21+$0x0], $0xffff;
	[tilespmem:s0+$0x10] =	vst v10  }
0x78: {  	v7 =	vld.idx.msk [tilespmem:v7+s21+$0x0], $0xffff;
	[tilespmem:s0+$0x20] =	vst v11  }
0x79: {  	v5 =	vld.idx.msk [tilespmem:v16+s21+$0x0], $0xffff;
	[tilespmem:s0+$0x30] =	vst v15;
	s0 =	sadd.s32 $0x80, s0  }
0x7a: {  	v6 =	vld.idx.msk [tilespmem:v17+s21+$0x0], $0xffff;
	[tilespmem:s0+$0xFFFFFFD0] =	vst v13  }
0x7b: {  	[tilespmem:s0+$0x0] =	vst v3;
	v3 =	vld.idx.msk [tilespmem:v8+s21+$0x0], $0xffff  }
0x7c: {  	[tilespmem:s0+$0xFFFFFFC0] =	vst v4;
	v4 =	vld.idx.msk [tilespmem:v9+s21+$0x0], $0xffff  }
0x7d: {  	[tilespmem:s0+$0x10] =	vst v7  }
0x7e: {  	[tilespmem:s0+$0xFFFFFFE0] =	vst v5  }
0x7f: {  	[tilespmem:s0+$0xFFFFFFF0] =	vst v6  }
0x80: {  	[tilespmem:s0+$0x20] =	vst v3  }
0x81: {  	[tilespmem:s0+$0x30] =	vst v4  }
0x82: {  	[hbm4b:s8+s19] =	stream.strided.scatter [tilespmem:s24], [sflag:$0x4], $0x3200, s20, s19, $0x38;
	[tilespmem:$0x1F400] =	vst v63  }
0x83: {  	s4 =	simm.s32 $0x0;
	s5 =	simm.s32 $0xC0  }
0x84: {  	v3 =	vmov s4;
	[tilespmem:s21], [sflag:$0x2] =	stream.strided.gather [hbm4b:s9+s19], $0xBB80, s20, s19, $0x38;
	[tilespmem:$0x1F400] =	vst v63  }
0x85: {  	s1 =	simm.s32 $0x30;
	v4 =	vmov s5;
	v3 =	vshrl.u32 v3, $0x7;
	_ =	swait.ge [sflag:s3], $0xBB80  }
0x86: {  	v5 =	vadd.s32 s1, v0;
	s4 =	simm.s32 $0x60;
	v4 =	vshrl.u32 v4, $0x7;
	v3 =	vshll.u32 v3, v1;
	[sflag:s3] =	ssyncset.done $0x0  }
0x87: {  	s5 =	simm.s32 $0x90;
	v6 =	vadd.s32 s4, v0;
	v4 =	vshll.u32 v4, v1;
	v3 =	vbroadcast v3, $0x0;
	[sflag:s3] =	ssyncadd.s32 $0xFFFF4480  }
0x88: {  	v7 =	vadd.s32 s5, v0;
	v4 =	vbroadcast v4, $0x0;
	_ =	swait.ge [sflag:s25], $0xC80  }
0x89: {  	v3 =	vor.u32 v0, v3;
	[sflag:s25] =	ssyncset.done $0x0  }
0x8a: {  	s4 =	simm.s32 $0xF0;
	s5 =	simm.s32 $0x180;
	v4 =	vor.u32 v2, v4;
	[sflag:s25] =	ssyncadd.s32 $0xFFFFF380  }
0x8b: {  	v8 =	vadd.s32 s4, v0;
	v10 =	vmov s5;
	s5 =	simm.s32 $0x1B0;
	v9 =	vld.idx.msk [tilespmem:v5+s2+$0x0], $0xffff  }
0x8c: {  	s1 =	simm.s32 $0x120;
	v13 =	vadd.s32 s5, v0;
	v11 =	vld.idx.msk [tilespmem:v6+s2+$0x0], $0xffff  }
0x8d: {  	s4 =	simm.s32 $0x150;
	v10 =	vshrl.u32 v10, $0x7;
	v5 =	vadd.s32 s1, v0;
	s1 =	simm.s32 $0x240;
	v7 =	vld.idx.msk [tilespmem:v7+s2+$0x0], $0xffff  }
0x8e: {  	s5 =	simm.s32 $0x210;
	v10 =	vshll.u32 v10, v1;
	v6 =	vadd.s32 s4, v0;
	v14 =	vld.idx.msk [tilespmem:v3+s2+$0x0], $0xffff;
	v12 =	vmov s1  }
0x8f: {  	v16 =	vadd.s32 s5, v0;
	s4 =	simm.s32 $0x1E0;
	v3 =	vbroadcast v10, $0x0;
	v15 =	vld.idx.msk [tilespmem:v4+s2+$0x0], $0xffff;
	v12 =	vshrl.u32 v12, $0x7  }
0x90: {  	v8 =	vld.idx.msk [tilespmem:v8+s2+$0x0], $0xffff;
	v10 =	vadd.s32 s4, v0;
	v12 =	vshll.u32 v12, v1  }
0x91: {  	s4 =	simm.s32 $0x270;
	v17 =	vor.u32 v0, v3;
	v3 =	vld.idx.msk [tilespmem:v13+s2+$0x0], $0xffff;
	v4 =	vbroadcast v12, $0x0  }
0x92: {  	s5 =	simm.s32 $0x2A0;
	v19 =	vadd.s32 s4, v0;
	v20 =	vld.idx.msk [tilespmem:v5+s2+$0x0], $0xffff  }
0x93: {  	v13 =	vadd.s32 s5, v0;
	s5 =	simm.s32 $0x300;
	v12 =	vld.idx.msk [tilespmem:v6+s2+$0x0], $0xffff;
	v18 =	vor.u32 v2, v4  }
0x94: {  	s29 =	simm.s32 $0x17740;
	s1 =	simm.s32 $0x3C0;
	s4 =	simm.s32 $0x2D0;
	v5 =	vmov s5;
	v6 =	vld.idx.msk [tilespmem:v16+s2+$0x0], $0xffff  }
0x95: {  	v21 =	vadd.s32 s4, v0;
	s4 =	simm.s32 $0x330;
	[tilespmem:s29+$0x0] =	vst v15;
	v15 =	vmov s1;
	v4 =	vld.idx.msk [tilespmem:v10+s2+$0x0], $0xffff;
	v10 =	vshrl.u32 v5, $0x7  }
0x96: {  	v22 =	vadd.s32 s4, v0;
	[tilespmem:s29+$0xFFFFFFC0] =	vst v14;
	s5 =	simm.s32 $0x360;
	v15 =	vshrl.u32 v15, $0x7;
	v5 =	vld.idx.msk [tilespmem:v17+s2+$0x0], $0xffff;
	v10 =	vshll.u32 v10, v1  }
0x97: {  	[tilespmem:s29+$0xFFFFFFD0] =	vst v9;
	s1 =	simm.s32 $0x390;
	v16 =	vadd.s32 s5, v0;
	v15 =	vshll.u32 v15, v1;
	v9 =	vbroadcast v10, $0x0;
	v10 =	vld.idx.msk [tilespmem:v19+s2+$0x0], $0xffff  }
0x98: {  	[tilespmem:s29+$0xFFFFFFE0] =	vst v11;
	v17 =	vadd.s32 s1, v0;
	v19 =	vbroadcast v15, $0x0;
	v14 =	vld.idx.msk [tilespmem:v18+s2+$0x0], $0xffff  }
0x99: {  	s4 =	simm.s32 $0x3F0;
	[tilespmem:s29+$0xFFFFFFF0] =	vst v7;
	v11 =	vld.idx.msk [tilespmem:v13+s2+$0x0], $0xffff;
	v18 =	vor.u32 v0, v9  }
0x9a: {  	s0 =	simm.s32 $0x420;
	v7 =	vadd.s32 s4, v0;
	[tilespmem:s29+$0x10] =	vst v8;
	s5 =	simm.s32 $0x450;
	v15 =	vld.idx.msk [tilespmem:v21+s2+$0x0], $0xffff;
	v19 =	vor.u32 v2, v19  }
0x9b: {  	s30 =	simm.s32 $0x10;
	s31 =	simm.s32 $0x480;
	v8 =	vadd.s32 s0, v0;
	v13 =	vld.idx.msk [tilespmem:v22+s2+$0x0], $0xffff;
	[tilespmem:s29+$0x20] =	vst v20;
	v9 =	vadd.s32 s5, v0  }
.LBB2_6:
0x9c: {  	v20 =	vmov s31;
	s0 =	sadd.s32 $0xC0, s31;
	s30 =	sadd.s32 $0x8, s30;
	v21 =	vld.idx.msk [tilespmem:v16+s2+$0x0], $0xffff;
	[tilespmem:s29+$0x30] =	vst v12;
	s29 =	sadd.s32 $0x80, s29  }
0x9d: {  	s1 =	sadd.s32 $0x30, s31;
	s4 =	sadd.s32 $0x60, s31;
	v12 =	vshrl.u32 v20, $0x7;
	v16 =	vmov s0;
	p0 =	slt.u32 s30, $0x3E0;
	v20 =	vld.idx.msk [tilespmem:v17+s2+$0x0], $0xffff;
	[tilespmem:s29+$0x0] =	vst v14  }
0x9e: {  	s5 =	sadd.s32 $0x120, s31;
	v22 =	vadd.s32 s1, v0;
	s0 =	sadd.s32 $0x90, s31;
	s1 =	sadd.s32 $0xF0, s31;
	v23 =	vmovc v10;
	v25 =	vshll.u32 v12, v1;
	v14 =	vshrl.u32 v16, $0x7;
	[tilespmem:s29+$0xFFFFFFC0] =	vst v5;
	v5 =	vld.idx.msk [tilespmem:v18+s2+$0x0], $0xffff  }
.Ltmp2:
0x9f: {  	v16 =	vadd.s32 s4, v0;
	s4 =	sadd.s32 $0x150, s31;
	v24 =	vmovc v11;
	v18 =	vbroadcast v25, $0x0;
	v10 =	vshll.u32 v14, v1;
	v14 =	vld.idx.msk [tilespmem:v19+s2+$0x0], $0xffff;
	[tilespmem:s29+$0xFFFFFFD0] =	vst v3;
	(pc) =	sbr.rel @p0 .LBB2_6-.Ltmp2, $4  }
0xa0: {  	v17 =	vadd.s32 s0, v0;
	v19 =	vbroadcast v10, $0x0;
	v10 =	vld.idx.msk [tilespmem:v7+s2+$0x0], $0xffff;
	v7 =	vadd.s32 s1, v0;
	[tilespmem:s29+$0xFFFFFFE0] =	vst v4;
	v12 =	vmovc v15  }
0xa1: {  	v25 =	vadd.s32 s4, v0;
	v3 =	vmovc v13;
	v18 =	vor.u32 v0, v18;
	v11 =	vld.idx.msk [tilespmem:v8+s2+$0x0], $0xffff;
	v8 =	vadd.s32 s5, v0;
	[tilespmem:s29+$0xFFFFFFF0] =	vst v6  }
0xa2: {  	v4 =	vmov v21;
	v19 =	vor.u32 v2, v19;
	v15 =	vld.idx.msk [tilespmem:v9+s2+$0x0], $0xffff;
	[tilespmem:s29+$0x10] =	vst v23;
	v9 =	vmov v25  }
0xa3: {  	s31 =	sadd.s32 $0x180, s31;
	v6 =	vmov v20;
	v13 =	vld.idx.msk [tilespmem:v22+s2+$0x0], $0xffff;
	[tilespmem:s29+$0x20] =	vst v24  }
0xa4: {  	[tilespmem:s29+$0x30] =	vst v12;
	s0 =	sadd.s32 $0x80, s29  }
0xa5: {  	[tilespmem:s0+$0x0] =	vst v14  }
0xa6: {  	[tilespmem:s0+$0xFFFFFFC0] =	vst v5  }
0xa7: {  	[tilespmem:s0+$0xFFFFFFD0] =	vst v3  }
0xa8: {  	[tilespmem:s0+$0xFFFFFFE0] =	vst v4  }
0xa9: {  	v3 =	vld.idx.msk [tilespmem:v19+s2+$0x0], $0xffff;
	[tilespmem:s0+$0xFFFFFFF0] =	vst v6  }
0xaa: {  	v4 =	vld.idx.msk [tilespmem:v18+s2+$0x0], $0xffff;
	[tilespmem:s0+$0x10] =	vst v10  }
0xab: {  	v7 =	vld.idx.msk [tilespmem:v7+s2+$0x0], $0xffff;
	[tilespmem:s0+$0x20] =	vst v11  }
0xac: {  	v5 =	vld.idx.msk [tilespmem:v16+s2+$0x0], $0xffff;
	[tilespmem:s0+$0x30] =	vst v15;
	s0 =	sadd.s32 $0x80, s0  }
0xad: {  	v6 =	vld.idx.msk [tilespmem:v17+s2+$0x0], $0xffff;
	[tilespmem:s0+$0xFFFFFFD0] =	vst v13  }
0xae: {  	[tilespmem:s0+$0x0] =	vst v3;
	v3 =	vld.idx.msk [tilespmem:v8+s2+$0x0], $0xffff  }
0xaf: {  	[tilespmem:s0+$0xFFFFFFC0] =	vst v4;
	v4 =	vld.idx.msk [tilespmem:v9+s2+$0x0], $0xffff  }
0xb0: {  	[tilespmem:s0+$0x10] =	vst v7  }
0xb1: {  	[tilespmem:s0+$0xFFFFFFE0] =	vst v5  }
0xb2: {  	[tilespmem:s0+$0xFFFFFFF0] =	vst v6  }
0xb3: {  	[tilespmem:s0+$0x20] =	vst v3  }
0xb4: {  	[tilespmem:s0+$0x30] =	vst v4  }
0xb5: {  	[hbm4b:s10+s19] =	stream.strided.scatter [tilespmem:s22], [sflag:$0x3], $0x3E80, s20, s19, $0x38;
	[tilespmem:$0x1F400] =	vst v63  }
0xb6: {  	s4 =	simm.s32 $0x0;
	s5 =	simm.s32 $0xC0  }
0xb7: {  	v3 =	vmov s4;
	[tilespmem:s4], [sflag:$0x1] =	stream.strided.gather [hbm4b:s11+s19], $0xBB80, s20, s19, $0x38;
	[tilespmem:$0x1F400] =	vst v63  }
0xb8: {  	s1 =	simm.s32 $0x30;
	v4 =	vmov s5;
	v3 =	vshrl.u32 v3, $0x7;
	_ =	swait.ge [sflag:s23], $0xBB80  }
0xb9: {  	v5 =	vadd.s32 s1, v0;
	v4 =	vshrl.u32 v4, $0x7;
	v3 =	vshll.u32 v3, v1;
	s4 =	simm.s32 $0x60;
	[sflag:s23] =	ssyncset.done $0x0  }
0xba: {  	s5 =	simm.s32 $0x90;
	v4 =	vshll.u32 v4, v1;
	v3 =	vbroadcast v3, $0x0;
	v6 =	vadd.s32 s4, v0;
	[sflag:s23] =	ssyncadd.s32 $0xFFFF4480  }
0xbb: {  	v7 =	vadd.s32 s5, v0;
	v4 =	vbroadcast v4, $0x0;
	_ =	swait.ge [sflag:s26], $0x3200  }
0xbc: {  	v3 =	vor.u32 v0, v3;
	[sflag:s26] =	ssyncset.done $0x0  }
0xbd: {  	s5 =	simm.s32 $0x180;
	s4 =	simm.s32 $0xF0;
	v4 =	vor.u32 v2, v4;
	[sflag:s26] =	ssyncadd.s32 $0xFFFFCE00  }
0xbe: {  	v10 =	vmov s5;
	s5 =	simm.s32 $0x1B0;
	v8 =	vadd.s32 s4, v0;
	v9 =	vld.idx.msk [tilespmem:v5+s21+$0x0], $0xffff  }
0xbf: {  	s1 =	simm.s32 $0x120;
	v13 =	vadd.s32 s5, v0;
	v11 =	vld.idx.msk [tilespmem:v6+s21+$0x0], $0xffff  }
0xc0: {  	v10 =	vshrl.u32 v10, $0x7;
	s4 =	simm.s32 $0x150;
	v5 =	vadd.s32 s1, v0;
	s1 =	simm.s32 $0x240;
	v7 =	vld.idx.msk [tilespmem:v7+s21+$0x0], $0xffff  }
0xc1: {  	s5 =	simm.s32 $0x210;
	v10 =	vshll.u32 v10, v1;
	v6 =	vadd.s32 s4, v0;
	v14 =	vld.idx.msk [tilespmem:v3+s21+$0x0], $0xffff;
	v12 =	vmov s1  }
0xc2: {  	v16 =	vadd.s32 s5, v0;
	s4 =	simm.s32 $0x1E0;
	v3 =	vbroadcast v10, $0x0;
	v15 =	vld.idx.msk [tilespmem:v4+s21+$0x0], $0xffff;
	v12 =	vshrl.u32 v12, $0x7  }
0xc3: {  	v8 =	vld.idx.msk [tilespmem:v8+s21+$0x0], $0xffff;
	v10 =	vadd.s32 s4, v0;
	v12 =	vshll.u32 v12, v1  }
0xc4: {  	s4 =	simm.s32 $0x270;
	v17 =	vor.u32 v0, v3;
	v3 =	vld.idx.msk [tilespmem:v13+s21+$0x0], $0xffff;
	v4 =	vbroadcast v12, $0x0  }
0xc5: {  	s5 =	simm.s32 $0x2A0;
	v19 =	vadd.s32 s4, v0;
	v20 =	vld.idx.msk [tilespmem:v5+s21+$0x0], $0xffff  }
0xc6: {  	v13 =	vadd.s32 s5, v0;
	s5 =	simm.s32 $0x300;
	v12 =	vld.idx.msk [tilespmem:v6+s21+$0x0], $0xffff;
	v18 =	vor.u32 v2, v4  }
0xc7: {  	s29 =	simm.s32 $0x1B5C0;
	s1 =	simm.s32 $0x3C0;
	s4 =	simm.s32 $0x2D0;
	v5 =	vmov s5;
	v6 =	vld.idx.msk [tilespmem:v16+s21+$0x0], $0xffff  }
0xc8: {  	v21 =	vadd.s32 s4, v0;
	s4 =	simm.s32 $0x330;
	[tilespmem:s29+$0x0] =	vst v15;
	v15 =	vmov s1;
	v4 =	vld.idx.msk [tilespmem:v10+s21+$0x0], $0xffff;
	v10 =	vshrl.u32 v5, $0x7  }
0xc9: {  	v22 =	vadd.s32 s4, v0;
	[tilespmem:s29+$0xFFFFFFC0] =	vst v14;
	s5 =	simm.s32 $0x360;
	v15 =	vshrl.u32 v15, $0x7;
	v5 =	vld.idx.msk [tilespmem:v17+s21+$0x0], $0xffff;
	v10 =	vshll.u32 v10, v1  }
0xca: {  	[tilespmem:s29+$0xFFFFFFD0] =	vst v9;
	s1 =	simm.s32 $0x390;
	v16 =	vadd.s32 s5, v0;
	v15 =	vshll.u32 v15, v1;
	v9 =	vbroadcast v10, $0x0;
	v10 =	vld.idx.msk [tilespmem:v19+s21+$0x0], $0xffff  }
0xcb: {  	[tilespmem:s29+$0xFFFFFFE0] =	vst v11;
	v17 =	vadd.s32 s1, v0;
	v19 =	vbroadcast v15, $0x0;
	v14 =	vld.idx.msk [tilespmem:v18+s21+$0x0], $0xffff  }
0xcc: {  	s4 =	simm.s32 $0x3F0;
	[tilespmem:s29+$0xFFFFFFF0] =	vst v7;
	v11 =	vld.idx.msk [tilespmem:v13+s21+$0x0], $0xffff;
	v18 =	vor.u32 v0, v9  }
0xcd: {  	s0 =	simm.s32 $0x420;
	v7 =	vadd.s32 s4, v0;
	[tilespmem:s29+$0x10] =	vst v8;
	s5 =	simm.s32 $0x450;
	v15 =	vld.idx.msk [tilespmem:v21+s21+$0x0], $0xffff;
	v19 =	vor.u32 v2, v19  }
0xce: {  	s30 =	simm.s32 $0x10;
	s31 =	simm.s32 $0x480;
	v8 =	vadd.s32 s0, v0;
	v13 =	vld.idx.msk [tilespmem:v22+s21+$0x0], $0xffff;
	[tilespmem:s29+$0x20] =	vst v20;
	v9 =	vadd.s32 s5, v0  }
.LBB2_8:
0xcf: {  	v20 =	vmov s31;
	s0 =	sadd.s32 $0xC0, s31;
	s30 =	sadd.s32 $0x8, s30;
	v21 =	vld.idx.msk [tilespmem:v16+s21+$0x0], $0xffff;
	[tilespmem:s29+$0x30] =	vst v12;
	s29 =	sadd.s32 $0x80, s29  }
0xd0: {  	s1 =	sadd.s32 $0x30, s31;
	s4 =	sadd.s32 $0x60, s31;
	v12 =	vshrl.u32 v20, $0x7;
	v16 =	vmov s0;
	p0 =	slt.u32 s30, $0x3E0;
	v20 =	vld.idx.msk [tilespmem:v17+s21+$0x0], $0xffff;
	[tilespmem:s29+$0x0] =	vst v14  }
0xd1: {  	s5 =	sadd.s32 $0x120, s31;
	v22 =	vadd.s32 s1, v0;
	s0 =	sadd.s32 $0x90, s31;
	s1 =	sadd.s32 $0xF0, s31;
	v23 =	vmovc v10;
	v25 =	vshll.u32 v12, v1;
	v14 =	vshrl.u32 v16, $0x7;
	[tilespmem:s29+$0xFFFFFFC0] =	vst v5;
	v5 =	vld.idx.msk [tilespmem:v18+s21+$0x0], $0xffff  }
.Ltmp3:
0xd2: {  	v16 =	vadd.s32 s4, v0;
	s4 =	sadd.s32 $0x150, s31;
	v24 =	vmovc v11;
	v18 =	vbroadcast v25, $0x0;
	v10 =	vshll.u32 v14, v1;
	v14 =	vld.idx.msk [tilespmem:v19+s21+$0x0], $0xffff;
	[tilespmem:s29+$0xFFFFFFD0] =	vst v3;
	(pc) =	sbr.rel @p0 .LBB2_8-.Ltmp3, $4  }
0xd3: {  	v17 =	vadd.s32 s0, v0;
	v19 =	vbroadcast v10, $0x0;
	v10 =	vld.idx.msk [tilespmem:v7+s21+$0x0], $0xffff;
	v7 =	vadd.s32 s1, v0;
	[tilespmem:s29+$0xFFFFFFE0] =	vst v4;
	v12 =	vmovc v15  }
0xd4: {  	v25 =	vadd.s32 s4, v0;
	v3 =	vmovc v13;
	v18 =	vor.u32 v0, v18;
	v11 =	vld.idx.msk [tilespmem:v8+s21+$0x0], $0xffff;
	v8 =	vadd.s32 s5, v0;
	[tilespmem:s29+$0xFFFFFFF0] =	vst v6  }
0xd5: {  	v4 =	vmov v21;
	v19 =	vor.u32 v2, v19;
	v15 =	vld.idx.msk [tilespmem:v9+s21+$0x0], $0xffff;
	[tilespmem:s29+$0x10] =	vst v23;
	v9 =	vmov v25  }
0xd6: {  	s31 =	sadd.s32 $0x180, s31;
	v6 =	vmov v20;
	v13 =	vld.idx.msk [tilespmem:v22+s21+$0x0], $0xffff;
	[tilespmem:s29+$0x20] =	vst v24  }
0xd7: {  	[tilespmem:s29+$0x30] =	vst v12;
	s0 =	sadd.s32 $0x80, s29  }
0xd8: {  	[tilespmem:s0+$0x0] =	vst v14  }
0xd9: {  	[tilespmem:s0+$0xFFFFFFC0] =	vst v5  }
0xda: {  	[tilespmem:s0+$0xFFFFFFD0] =	vst v3  }
0xdb: {  	[tilespmem:s0+$0xFFFFFFE0] =	vst v4  }
0xdc: {  	v3 =	vld.idx.msk [tilespmem:v19+s21+$0x0], $0xffff;
	[tilespmem:s0+$0xFFFFFFF0] =	vst v6  }
0xdd: {  	v4 =	vld.idx.msk [tilespmem:v18+s21+$0x0], $0xffff;
	[tilespmem:s0+$0x10] =	vst v10  }
0xde: {  	v7 =	vld.idx.msk [tilespmem:v7+s21+$0x0], $0xffff;
	[tilespmem:s0+$0x20] =	vst v11  }
0xdf: {  	v5 =	vld.idx.msk [tilespmem:v16+s21+$0x0], $0xffff;
	[tilespmem:s0+$0x30] =	vst v15;
	s0 =	sadd.s32 $0x80, s0  }
0xe0: {  	v6 =	vld.idx.msk [tilespmem:v17+s21+$0x0], $0xffff;
	[tilespmem:s0+$0xFFFFFFD0] =	vst v13  }
0xe1: {  	[tilespmem:s0+$0x0] =	vst v3;
	v3 =	vld.idx.msk [tilespmem:v8+s21+$0x0], $0xffff  }
0xe2: {  	[tilespmem:s0+$0xFFFFFFC0] =	vst v4;
	v4 =	vld.idx.msk [tilespmem:v9+s21+$0x0], $0xffff  }
0xe3: {  	[tilespmem:s0+$0x10] =	vst v7  }
0xe4: {  	[tilespmem:s0+$0xFFFFFFE0] =	vst v5  }
0xe5: {  	[tilespmem:s0+$0xFFFFFFF0] =	vst v6  }
0xe6: {  	[tilespmem:s0+$0x20] =	vst v3  }
0xe7: {  	[tilespmem:s0+$0x30] =	vst v4  }
0xe8: {  	[hbm4b:s12+s19] =	stream.strided.scatter [tilespmem:s24], [sflag:$0x4], $0x3E80, s20, s19, $0x38;
	[tilespmem:$0x1F400] =	vst v63  }
0xe9: {  	s4 =	simm.s32 $0x0;
	s5 =	simm.s32 $0xC0  }
0xea: {  	v3 =	vmov s4;
	[tilespmem:s21], [sflag:$0x2] =	stream.strided.gather [hbm4b:s13+s19], $0x9600, s20, s19, $0x38;
	[tilespmem:$0x1F400] =	vst v63  }
0xeb: {  	s1 =	simm.s32 $0x30;
	v4 =	vmov s5;
	v3 =	vshrl.u32 v3, $0x7;
	_ =	swait.ge [sflag:s3], $0xBB80  }
0xec: {  	v5 =	vadd.s32 s1, v0;
	s4 =	simm.s32 $0x60;
	v4 =	vshrl.u32 v4, $0x7;
	v3 =	vshll.u32 v3, v1;
	[sflag:s3] =	ssyncset.done $0x0  }
0xed: {  	s5 =	simm.s32 $0x90;
	v6 =	vadd.s32 s4, v0;
	v4 =	vshll.u32 v4, v1;
	v3 =	vbroadcast v3, $0x0;
	[sflag:s3] =	ssyncadd.s32 $0xFFFF4480  }
0xee: {  	v7 =	vadd.s32 s5, v0;
	v4 =	vbroadcast v4, $0x0;
	_ =	swait.ge [sflag:s25], $0x3E80  }
0xef: {  	v3 =	vor.u32 v0, v3;
	[sflag:s25] =	ssyncset.done $0x0  }
0xf0: {  	s4 =	simm.s32 $0xF0;
	s5 =	simm.s32 $0x180;
	v4 =	vor.u32 v2, v4;
	[sflag:s25] =	ssyncadd.s32 $0xFFFFC180  }
0xf1: {  	v8 =	vadd.s32 s4, v0;
	v10 =	vmov s5;
	s5 =	simm.s32 $0x1B0;
	v9 =	vld.idx.msk [tilespmem:v5+s2+$0x0], $0xffff  }
0xf2: {  	s1 =	simm.s32 $0x120;
	v13 =	vadd.s32 s5, v0;
	v11 =	vld.idx.msk [tilespmem:v6+s2+$0x0], $0xffff  }
0xf3: {  	s4 =	simm.s32 $0x150;
	v10 =	vshrl.u32 v10, $0x7;
	v5 =	vadd.s32 s1, v0;
	s1 =	simm.s32 $0x240;
	v7 =	vld.idx.msk [tilespmem:v7+s2+$0x0], $0xffff  }
0xf4: {  	s5 =	simm.s32 $0x210;
	v10 =	vshll.u32 v10, v1;
	v6 =	vadd.s32 s4, v0;
	v14 =	vld.idx.msk [tilespmem:v3+s2+$0x0], $0xffff;
	v12 =	vmov s1  }
0xf5: {  	v16 =	vadd.s32 s5, v0;
	s4 =	simm.s32 $0x1E0;
	v3 =	vbroadcast v10, $0x0;
	v15 =	vld.idx.msk [tilespmem:v4+s2+$0x0], $0xffff;
	v12 =	vshrl.u32 v12, $0x7  }
0xf6: {  	v8 =	vld.idx.msk [tilespmem:v8+s2+$0x0], $0xffff;
	v10 =	vadd.s32 s4, v0;
	v12 =	vshll.u32 v12, v1  }
0xf7: {  	s4 =	simm.s32 $0x270;
	v17 =	vor.u32 v0, v3;
	v3 =	vld.idx.msk [tilespmem:v13+s2+$0x0], $0xffff;
	v4 =	vbroadcast v12, $0x0  }
0xf8: {  	s5 =	simm.s32 $0x2A0;
	v19 =	vadd.s32 s4, v0;
	v20 =	vld.idx.msk [tilespmem:v5+s2+$0x0], $0xffff  }
0xf9: {  	v13 =	vadd.s32 s5, v0;
	s5 =	simm.s32 $0x300;
	v12 =	vld.idx.msk [tilespmem:v6+s2+$0x0], $0xffff;
	v18 =	vor.u32 v2, v4  }
0xfa: {  	s29 =	simm.s32 $0x17740;
	s1 =	simm.s32 $0x3C0;
	s4 =	simm.s32 $0x2D0;
	v5 =	vmov s5;
	v6 =	vld.idx.msk [tilespmem:v16+s2+$0x0], $0xffff  }
0xfb: {  	v21 =	vadd.s32 s4, v0;
	s4 =	simm.s32 $0x330;
	[tilespmem:s29+$0x0] =	vst v15;
	v15 =	vmov s1;
	v4 =	vld.idx.msk [tilespmem:v10+s2+$0x0], $0xffff;
	v10 =	vshrl.u32 v5, $0x7  }
0xfc: {  	v22 =	vadd.s32 s4, v0;
	[tilespmem:s29+$0xFFFFFFC0] =	vst v14;
	s5 =	simm.s32 $0x360;
	v15 =	vshrl.u32 v15, $0x7;
	v5 =	vld.idx.msk [tilespmem:v17+s2+$0x0], $0xffff;
	v10 =	vshll.u32 v10, v1  }
0xfd: {  	[tilespmem:s29+$0xFFFFFFD0] =	vst v9;
	s1 =	simm.s32 $0x390;
	v16 =	vadd.s32 s5, v0;
	v15 =	vshll.u32 v15, v1;
	v9 =	vbroadcast v10, $0x0;
	v10 =	vld.idx.msk [tilespmem:v19+s2+$0x0], $0xffff  }
0xfe: {  	[tilespmem:s29+$0xFFFFFFE0] =	vst v11;
	v17 =	vadd.s32 s1, v0;
	v19 =	vbroadcast v15, $0x0;
	v14 =	vld.idx.msk [tilespmem:v18+s2+$0x0], $0xffff  }
0xff: {  	s4 =	simm.s32 $0x3F0;
	[tilespmem:s29+$0xFFFFFFF0] =	vst v7;
	v11 =	vld.idx.msk [tilespmem:v13+s2+$0x0], $0xffff;
	v18 =	vor.u32 v0, v9  }
0x100: {  	s0 =	simm.s32 $0x420;
	v7 =	vadd.s32 s4, v0;
	[tilespmem:s29+$0x10] =	vst v8;
	s5 =	simm.s32 $0x450;
	v15 =	vld.idx.msk [tilespmem:v21+s2+$0x0], $0xffff;
	v19 =	vor.u32 v2, v19  }
0x101: {  	s30 =	simm.s32 $0x10;
	s31 =	simm.s32 $0x480;
	v8 =	vadd.s32 s0, v0;
	v13 =	vld.idx.msk [tilespmem:v22+s2+$0x0], $0xffff;
	[tilespmem:s29+$0x20] =	vst v20;
	v9 =	vadd.s32 s5, v0  }
.LBB2_10:
0x102: {  	v20 =	vmov s31;
	s0 =	sadd.s32 $0xC0, s31;
	s30 =	sadd.s32 $0x8, s30;
	v21 =	vld.idx.msk [tilespmem:v16+s2+$0x0], $0xffff;
	[tilespmem:s29+$0x30] =	vst v12;
	s29 =	sadd.s32 $0x80, s29  }
0x103: {  	s1 =	sadd.s32 $0x30, s31;
	s4 =	sadd.s32 $0x60, s31;
	v12 =	vshrl.u32 v20, $0x7;
	v16 =	vmov s0;
	p0 =	slt.u32 s30, $0x3E0;
	v20 =	vld.idx.msk [tilespmem:v17+s2+$0x0], $0xffff;
	[tilespmem:s29+$0x0] =	vst v14  }
0x104: {  	s5 =	sadd.s32 $0x120, s31;
	v22 =	vadd.s32 s1, v0;
	s0 =	sadd.s32 $0x90, s31;
	s1 =	sadd.s32 $0xF0, s31;
	v23 =	vmovc v10;
	v25 =	vshll.u32 v12, v1;
	v14 =	vshrl.u32 v16, $0x7;
	[tilespmem:s29+$0xFFFFFFC0] =	vst v5;
	v5 =	vld.idx.msk [tilespmem:v18+s2+$0x0], $0xffff  }
.Ltmp4:
0x105: {  	v16 =	vadd.s32 s4, v0;
	s4 =	sadd.s32 $0x150, s31;
	v24 =	vmovc v11;
	v18 =	vbroadcast v25, $0x0;
	v10 =	vshll.u32 v14, v1;
	v14 =	vld.idx.msk [tilespmem:v19+s2+$0x0], $0xffff;
	[tilespmem:s29+$0xFFFFFFD0] =	vst v3;
	(pc) =	sbr.rel @p0 .LBB2_10-.Ltmp4, $4  }
0x106: {  	v17 =	vadd.s32 s0, v0;
	v19 =	vbroadcast v10, $0x0;
	v10 =	vld.idx.msk [tilespmem:v7+s2+$0x0], $0xffff;
	v7 =	vadd.s32 s1, v0;
	[tilespmem:s29+$0xFFFFFFE0] =	vst v4;
	v12 =	vmovc v15  }
0x107: {  	v25 =	vadd.s32 s4, v0;
	v3 =	vmovc v13;
	v18 =	vor.u32 v0, v18;
	v11 =	vld.idx.msk [tilespmem:v8+s2+$0x0], $0xffff;
	v8 =	vadd.s32 s5, v0;
	[tilespmem:s29+$0xFFFFFFF0] =	vst v6  }
0x108: {  	v4 =	vmov v21;
	v19 =	vor.u32 v2, v19;
	v15 =	vld.idx.msk [tilespmem:v9+s2+$0x0], $0xffff;
	[tilespmem:s29+$0x10] =	vst v23;
	v9 =	vmov v25  }
0x109: {  	s31 =	sadd.s32 $0x180, s31;
	v6 =	vmov v20;
	v13 =	vld.idx.msk [tilespmem:v22+s2+$0x0], $0xffff;
	[tilespmem:s29+$0x20] =	vst v24  }
0x10a: {  	[tilespmem:s29+$0x30] =	vst v12;
	s0 =	sadd.s32 $0x80, s29  }
0x10b: {  	[tilespmem:s0+$0x0] =	vst v14  }
0x10c: {  	[tilespmem:s0+$0xFFFFFFC0] =	vst v5  }
0x10d: {  	[tilespmem:s0+$0xFFFFFFD0] =	vst v3  }
0x10e: {  	[tilespmem:s0+$0xFFFFFFE0] =	vst v4  }
0x10f: {  	v3 =	vld.idx.msk [tilespmem:v19+s2+$0x0], $0xffff;
	[tilespmem:s0+$0xFFFFFFF0] =	vst v6  }
0x110: {  	v4 =	vld.idx.msk [tilespmem:v18+s2+$0x0], $0xffff;
	[tilespmem:s0+$0x10] =	vst v10  }
0x111: {  	v7 =	vld.idx.msk [tilespmem:v7+s2+$0x0], $0xffff;
	[tilespmem:s0+$0x20] =	vst v11  }
0x112: {  	v5 =	vld.idx.msk [tilespmem:v16+s2+$0x0], $0xffff;
	[tilespmem:s0+$0x30] =	vst v15;
	s0 =	sadd.s32 $0x80, s0  }
0x113: {  	v6 =	vld.idx.msk [tilespmem:v17+s2+$0x0], $0xffff;
	[tilespmem:s0+$0xFFFFFFD0] =	vst v13  }
0x114: {  	[tilespmem:s0+$0x0] =	vst v3;
	v3 =	vld.idx.msk [tilespmem:v8+s2+$0x0], $0xffff  }
0x115: {  	[tilespmem:s0+$0xFFFFFFC0] =	vst v4;
	v4 =	vld.idx.msk [tilespmem:v9+s2+$0x0], $0xffff  }
0x116: {  	[tilespmem:s0+$0x10] =	vst v7  }
0x117: {  	[tilespmem:s0+$0xFFFFFFE0] =	vst v5  }
0x118: {  	[tilespmem:s0+$0xFFFFFFF0] =	vst v6  }
0x119: {  	[tilespmem:s0+$0x20] =	vst v3  }
0x11a: {  	[tilespmem:s0+$0x30] =	vst v4  }
0x11b: {  	[hbm4b:s14+s19] =	stream.strided.scatter [tilespmem:s22], [sflag:$0x3], $0x3E80, s20, s19, $0x38;
	[tilespmem:$0x1F400] =	vst v63  }
0x11c: {  	s4 =	simm.s32 $0x0;
	s5 =	simm.s32 $0xC0  }
0x11d: {  	v3 =	vmov s4;
	[tilespmem:s4], [sflag:$0x1] =	stream.strided.gather [hbm4b:s15+s19], $0x2580, s20, s19, $0x38;
	[tilespmem:$0x1F400] =	vst v63  }
0x11e: {  	s1 =	simm.s32 $0x30;
	v4 =	vmov s5;
	v3 =	vshrl.u32 v3, $0x7;
	_ =	swait.ge [sflag:s23], $0x9600  }
0x11f: {  	v5 =	vadd.s32 s1, v0;
	v4 =	vshrl.u32 v4, $0x7;
	v3 =	vshll.u32 v3, v1;
	s4 =	simm.s32 $0x60;
	[sflag:s23] =	ssyncset.done $0x0  }
0x120: {  	s5 =	simm.s32 $0x90;
	v4 =	vshll.u32 v4, v1;
	v3 =	vbroadcast v3, $0x0;
	v6 =	vadd.s32 s4, v0;
	[sflag:s23] =	ssyncadd.s32 $0xFFFF6A00  }
0x121: {  	v7 =	vadd.s32 s5, v0;
	v4 =	vbroadcast v4, $0x0;
	_ =	swait.ge [sflag:s26], $0x3E80  }
0x122: {  	v3 =	vor.u32 v0, v3;
	[sflag:s26] =	ssyncset.done $0x0  }
0x123: {  	s5 =	simm.s32 $0x180;
	s4 =	simm.s32 $0xF0;
	v4 =	vor.u32 v2, v4;
	[sflag:s26] =	ssyncadd.s32 $0xFFFFC180  }
0x124: {  	v10 =	vmov s5;
	s5 =	simm.s32 $0x1B0;
	v8 =	vadd.s32 s4, v0;
	v9 =	vld.idx.msk [tilespmem:v5+s21+$0x0], $0xffff  }
0x125: {  	s1 =	simm.s32 $0x120;
	v13 =	vadd.s32 s5, v0;
	v11 =	vld.idx.msk [tilespmem:v6+s21+$0x0], $0xffff  }
0x126: {  	v10 =	vshrl.u32 v10, $0x7;
	s4 =	simm.s32 $0x150;
	v5 =	vadd.s32 s1, v0;
	s1 =	simm.s32 $0x240;
	v7 =	vld.idx.msk [tilespmem:v7+s21+$0x0], $0xffff  }
0x127: {  	s5 =	simm.s32 $0x210;
	v10 =	vshll.u32 v10, v1;
	v6 =	vadd.s32 s4, v0;
	v14 =	vld.idx.msk [tilespmem:v3+s21+$0x0], $0xffff;
	v12 =	vmov s1  }
0x128: {  	v16 =	vadd.s32 s5, v0;
	s4 =	simm.s32 $0x1E0;
	v3 =	vbroadcast v10, $0x0;
	v15 =	vld.idx.msk [tilespmem:v4+s21+$0x0], $0xffff;
	v12 =	vshrl.u32 v12, $0x7  }
0x129: {  	v8 =	vld.idx.msk [tilespmem:v8+s21+$0x0], $0xffff;
	v10 =	vadd.s32 s4, v0;
	v12 =	vshll.u32 v12, v1  }
0x12a: {  	s4 =	simm.s32 $0x270;
	v17 =	vor.u32 v0, v3;
	v3 =	vld.idx.msk [tilespmem:v13+s21+$0x0], $0xffff;
	v4 =	vbroadcast v12, $0x0  }
0x12b: {  	s5 =	simm.s32 $0x2A0;
	v19 =	vadd.s32 s4, v0;
	v20 =	vld.idx.msk [tilespmem:v5+s21+$0x0], $0xffff  }
0x12c: {  	v13 =	vadd.s32 s5, v0;
	s5 =	simm.s32 $0x300;
	v12 =	vld.idx.msk [tilespmem:v6+s21+$0x0], $0xffff;
	v18 =	vor.u32 v2, v4  }
0x12d: {  	s29 =	simm.s32 $0x1B5C0;
	s1 =	simm.s32 $0x3C0;
	s4 =	simm.s32 $0x2D0;
	v5 =	vmov s5;
	v6 =	vld.idx.msk [tilespmem:v16+s21+$0x0], $0xffff  }
0x12e: {  	v21 =	vadd.s32 s4, v0;
	s4 =	simm.s32 $0x330;
	[tilespmem:s29+$0x0] =	vst v15;
	v15 =	vmov s1;
	v4 =	vld.idx.msk [tilespmem:v10+s21+$0x0], $0xffff;
	v10 =	vshrl.u32 v5, $0x7  }
0x12f: {  	v22 =	vadd.s32 s4, v0;
	[tilespmem:s29+$0xFFFFFFC0] =	vst v14;
	s5 =	simm.s32 $0x360;
	v15 =	vshrl.u32 v15, $0x7;
	v5 =	vld.idx.msk [tilespmem:v17+s21+$0x0], $0xffff;
	v10 =	vshll.u32 v10, v1  }
0x130: {  	[tilespmem:s29+$0xFFFFFFD0] =	vst v9;
	s1 =	simm.s32 $0x390;
	v16 =	vadd.s32 s5, v0;
	v15 =	vshll.u32 v15, v1;
	v9 =	vbroadcast v10, $0x0;
	v10 =	vld.idx.msk [tilespmem:v19+s21+$0x0], $0xffff  }
0x131: {  	[tilespmem:s29+$0xFFFFFFE0] =	vst v11;
	v17 =	vadd.s32 s1, v0;
	v19 =	vbroadcast v15, $0x0;
	v14 =	vld.idx.msk [tilespmem:v18+s21+$0x0], $0xffff  }
0x132: {  	s4 =	simm.s32 $0x3F0;
	[tilespmem:s29+$0xFFFFFFF0] =	vst v7;
	v11 =	vld.idx.msk [tilespmem:v13+s21+$0x0], $0xffff;
	v18 =	vor.u32 v0, v9  }
0x133: {  	s0 =	simm.s32 $0x420;
	v7 =	vadd.s32 s4, v0;
	[tilespmem:s29+$0x10] =	vst v8;
	s5 =	simm.s32 $0x450;
	v15 =	vld.idx.msk [tilespmem:v21+s21+$0x0], $0xffff;
	v19 =	vor.u32 v2, v19  }
0x134: {  	s30 =	simm.s32 $0x10;
	s31 =	simm.s32 $0x480;
	v8 =	vadd.s32 s0, v0;
	v13 =	vld.idx.msk [tilespmem:v22+s21+$0x0], $0xffff;
	[tilespmem:s29+$0x20] =	vst v20;
	v9 =	vadd.s32 s5, v0  }
.LBB2_12:
0x135: {  	v20 =	vmov s31;
	s0 =	sadd.s32 $0xC0, s31;
	s30 =	sadd.s32 $0x8, s30;
	v21 =	vld.idx.msk [tilespmem:v16+s21+$0x0], $0xffff;
	[tilespmem:s29+$0x30] =	vst v12;
	s29 =	sadd.s32 $0x80, s29  }
0x136: {  	s1 =	sadd.s32 $0x30, s31;
	s4 =	sadd.s32 $0x60, s31;
	v12 =	vshrl.u32 v20, $0x7;
	v16 =	vmov s0;
	p0 =	slt.u32 s30, $0x318;
	v20 =	vld.idx.msk [tilespmem:v17+s21+$0x0], $0xffff;
	[tilespmem:s29+$0x0] =	vst v14  }
0x137: {  	s5 =	sadd.s32 $0x120, s31;
	v22 =	vadd.s32 s1, v0;
	s0 =	sadd.s32 $0x90, s31;
	s1 =	sadd.s32 $0xF0, s31;
	v23 =	vmovc v10;
	v25 =	vshll.u32 v12, v1;
	v14 =	vshrl.u32 v16, $0x7;
	[tilespmem:s29+$0xFFFFFFC0] =	vst v5;
	v5 =	vld.idx.msk [tilespmem:v18+s21+$0x0], $0xffff  }
.Ltmp5:
0x138: {  	v16 =	vadd.s32 s4, v0;
	s4 =	sadd.s32 $0x150, s31;
	v24 =	vmovc v11;
	v18 =	vbroadcast v25, $0x0;
	v10 =	vshll.u32 v14, v1;
	v14 =	vld.idx.msk [tilespmem:v19+s21+$0x0], $0xffff;
	[tilespmem:s29+$0xFFFFFFD0] =	vst v3;
	(pc) =	sbr.rel @p0 .LBB2_12-.Ltmp5, $4  }
0x139: {  	v17 =	vadd.s32 s0, v0;
	v19 =	vbroadcast v10, $0x0;
	v10 =	vld.idx.msk [tilespmem:v7+s21+$0x0], $0xffff;
	v7 =	vadd.s32 s1, v0;
	[tilespmem:s29+$0xFFFFFFE0] =	vst v4;
	v12 =	vmovc v15  }
0x13a: {  	v25 =	vadd.s32 s4, v0;
	v3 =	vmovc v13;
	v18 =	vor.u32 v0, v18;
	v11 =	vld.idx.msk [tilespmem:v8+s21+$0x0], $0xffff;
	v8 =	vadd.s32 s5, v0;
	[tilespmem:s29+$0xFFFFFFF0] =	vst v6  }
0x13b: {  	v4 =	vmov v21;
	v19 =	vor.u32 v2, v19;
	v15 =	vld.idx.msk [tilespmem:v9+s21+$0x0], $0xffff;
	[tilespmem:s29+$0x10] =	vst v23;
	v9 =	vmov v25  }
0x13c: {  	s31 =	sadd.s32 $0x180, s31;
	v6 =	vmov v20;
	v13 =	vld.idx.msk [tilespmem:v22+s21+$0x0], $0xffff;
	[tilespmem:s29+$0x20] =	vst v24  }
0x13d: {  	[tilespmem:s29+$0x30] =	vst v12;
	s0 =	sadd.s32 $0x80, s29  }
0x13e: {  	[tilespmem:s0+$0x0] =	vst v14  }
0x13f: {  	[tilespmem:s0+$0xFFFFFFC0] =	vst v5  }
0x140: {  	[tilespmem:s0+$0xFFFFFFD0] =	vst v3  }
0x141: {  	[tilespmem:s0+$0xFFFFFFE0] =	vst v4  }
0x142: {  	v3 =	vld.idx.msk [tilespmem:v19+s21+$0x0], $0xffff;
	[tilespmem:s0+$0xFFFFFFF0] =	vst v6  }
0x143: {  	v4 =	vld.idx.msk [tilespmem:v18+s21+$0x0], $0xffff;
	[tilespmem:s0+$0x10] =	vst v10  }
0x144: {  	v7 =	vld.idx.msk [tilespmem:v7+s21+$0x0], $0xffff;
	[tilespmem:s0+$0x20] =	vst v11  }
0x145: {  	v5 =	vld.idx.msk [tilespmem:v16+s21+$0x0], $0xffff;
	[tilespmem:s0+$0x30] =	vst v15;
	s0 =	sadd.s32 $0x80, s0  }
0x146: {  	v6 =	vld.idx.msk [tilespmem:v17+s21+$0x0], $0xffff;
	[tilespmem:s0+$0xFFFFFFD0] =	vst v13  }
0x147: {  	[tilespmem:s0+$0x0] =	vst v3;
	v3 =	vld.idx.msk [tilespmem:v8+s21+$0x0], $0xffff  }
0x148: {  	[tilespmem:s0+$0xFFFFFFC0] =	vst v4;
	v4 =	vld.idx.msk [tilespmem:v9+s21+$0x0], $0xffff  }
0x149: {  	[tilespmem:s0+$0x10] =	vst v7  }
0x14a: {  	[tilespmem:s0+$0xFFFFFFE0] =	vst v5  }
0x14b: {  	[tilespmem:s0+$0xFFFFFFF0] =	vst v6  }
0x14c: {  	[tilespmem:s0+$0x20] =	vst v3  }
0x14d: {  	s4 =	simm.s32 $0x0;
	[tilespmem:s0+$0x30] =	vst v4  }
0x14e: {  	[hbm4b:s16+s19] =	stream.strided.scatter [tilespmem:s24], [sflag:$0x4], $0x3200, s20, s19, $0x38;
	[tilespmem:$0x1F400] =	vst v63  }
0x14f: {  	s5 =	simm.s32 $0xC0;
	s1 =	simm.s32 $0x30;
	v3 =	vmov s4;
	_ =	swait.ge [sflag:s3], $0x2580  }
0x150: {  	v5 =	vadd.s32 s1, v0;
	v4 =	vmov s5;
	s4 =	simm.s32 $0x60;
	v3 =	vshrl.u32 v3, $0x7;
	[sflag:s3] =	ssyncset.done $0x0  }
0x151: {  	s5 =	simm.s32 $0x90;
	v4 =	vshrl.u32 v4, $0x7;
	v6 =	vadd.s32 s4, v0;
	v3 =	vshll.u32 v3, v1;
	[sflag:s3] =	ssyncadd.s32 $0xFFFFDA80  }
0x152: {  	v7 =	vadd.s32 s5, v0;
	s4 =	simm.s32 $0xF0;
	v4 =	vshll.u32 v4, v1;
	v3 =	vbroadcast v3, $0x0;
	_ =	swait.ge [sflag:s25], $0x3E80  }
0x153: {  	v8 =	vadd.s32 s4, v0;
	v4 =	vbroadcast v4, $0x0;
	[sflag:s25] =	ssyncset.done $0x0  }
0x154: {  	s5 =	simm.s32 $0x180;
	v3 =	vor.u32 v0, v3;
	[sflag:s25] =	ssyncadd.s32 $0xFFFFC180  }
0x155: {  	v10 =	vmov s5;
	s5 =	simm.s32 $0x1B0;
	v4 =	vor.u32 v2, v4;
	v9 =	vld.idx.msk [tilespmem:v5+s2+$0x0], $0xffff  }
0x156: {  	s1 =	simm.s32 $0x120;
	v13 =	vadd.s32 s5, v0;
	v11 =	vld.idx.msk [tilespmem:v6+s2+$0x0], $0xffff  }
0x157: {  	s4 =	simm.s32 $0x150;
	v10 =	vshrl.u32 v10, $0x7;
	v5 =	vadd.s32 s1, v0;
	s1 =	simm.s32 $0x240;
	v7 =	vld.idx.msk [tilespmem:v7+s2+$0x0], $0xffff  }
0x158: {  	s5 =	simm.s32 $0x210;
	v10 =	vshll.u32 v10, v1;
	v6 =	vadd.s32 s4, v0;
	v8 =	vld.idx.msk [tilespmem:v8+s2+$0x0], $0xffff;
	v12 =	vmov s1  }
0x159: {  	v16 =	vadd.s32 s5, v0;
	s4 =	simm.s32 $0x1E0;
	v12 =	vshrl.u32 v12, $0x7;
	v14 =	vld.idx.msk [tilespmem:v3+s2+$0x0], $0xffff;
	v3 =	vbroadcast v10, $0x0  }
0x15a: {  	v10 =	vadd.s32 s4, v0;
	v15 =	vld.idx.msk [tilespmem:v4+s2+$0x0], $0xffff;
	v12 =	vshll.u32 v12, v1  }
0x15b: {  	s4 =	simm.s32 $0x270;
	v4 =	vbroadcast v12, $0x0;
	v17 =	vor.u32 v0, v3;
	v3 =	vld.idx.msk [tilespmem:v13+s2+$0x0], $0xffff  }
0x15c: {  	s5 =	simm.s32 $0x2A0;
	v19 =	vadd.s32 s4, v0;
	v20 =	vld.idx.msk [tilespmem:v5+s2+$0x0], $0xffff  }
0x15d: {  	v13 =	vadd.s32 s5, v0;
	s5 =	simm.s32 $0x300;
	v12 =	vld.idx.msk [tilespmem:v6+s2+$0x0], $0xffff;
	v18 =	vor.u32 v2, v4  }
0x15e: {  	s29 =	simm.s32 $0x17740;
	s1 =	simm.s32 $0x3C0;
	s4 =	simm.s32 $0x2D0;
	v5 =	vmov s5;
	v6 =	vld.idx.msk [tilespmem:v16+s2+$0x0], $0xffff  }
0x15f: {  	v21 =	vadd.s32 s4, v0;
	s4 =	simm.s32 $0x330;
	v4 =	vld.idx.msk [tilespmem:v10+s2+$0x0], $0xffff;
	[tilespmem:s29+$0x0] =	vst v15;
	v10 =	vshrl.u32 v5, $0x7;
	v15 =	vmov s1  }
0x160: {  	v22 =	vadd.s32 s4, v0;
	[tilespmem:s29+$0xFFFFFFD0] =	vst v9;
	s5 =	simm.s32 $0x360;
	v10 =	vshll.u32 v10, v1;
	v15 =	vshrl.u32 v15, $0x7;
	v5 =	vld.idx.msk [tilespmem:v17+s2+$0x0], $0xffff  }
0x161: {  	[tilespmem:s29+$0xFFFFFFE0] =	vst v11;
	v16 =	vadd.s32 s5, v0;
	s1 =	simm.s32 $0x390;
	v9 =	vbroadcast v10, $0x0;
	v15 =	vshll.u32 v15, v1;
	v10 =	vld.idx.msk [tilespmem:v19+s2+$0x0], $0xffff  }
0x162: {  	[tilespmem:s29+$0xFFFFFFC0] =	vst v14;
	v17 =	vadd.s32 s1, v0;
	v19 =	vbroadcast v15, $0x0;
	v14 =	vld.idx.msk [tilespmem:v18+s2+$0x0], $0xffff  }
0x163: {  	s0 =	simm.s32 $0x420;
	[tilespmem:s29+$0xFFFFFFF0] =	vst v7;
	v11 =	vld.idx.msk [tilespmem:v13+s2+$0x0], $0xffff;
	v18 =	vor.u32 v0, v9  }
0x164: {  	s4 =	simm.s32 $0x3F0;
	[tilespmem:s29+$0x10] =	vst v8;
	v8 =	vadd.s32 s0, v0;
	s5 =	simm.s32 $0x450;
	v15 =	vld.idx.msk [tilespmem:v21+s2+$0x0], $0xffff;
	v19 =	vor.u32 v2, v19  }
0x165: {  	s30 =	simm.s32 $0x10;
	s31 =	simm.s32 $0x480;
	v7 =	vadd.s32 s4, v0;
	v13 =	vld.idx.msk [tilespmem:v22+s2+$0x0], $0xffff;
	[tilespmem:s29+$0x20] =	vst v20;
	v9 =	vadd.s32 s5, v0  }
.LBB2_14:
0x166: {  	v20 =	vmov s31;
	s0 =	sadd.s32 $0xC0, s31;
	s30 =	sadd.s32 $0x8, s30;
	v21 =	vld.idx.msk [tilespmem:v16+s2+$0x0], $0xffff;
	[tilespmem:s29+$0x30] =	vst v12;
	s29 =	sadd.s32 $0x80, s29  }
0x167: {  	s1 =	sadd.s32 $0x30, s31;
	s4 =	sadd.s32 $0x60, s31;
	v12 =	vshrl.u32 v20, $0x7;
	v16 =	vmov s0;
	p0 =	slt.u32 s30, $0xC0;
	v20 =	vld.idx.msk [tilespmem:v17+s2+$0x0], $0xffff;
	[tilespmem:s29+$0x0] =	vst v14  }
0x168: {  	s5 =	sadd.s32 $0x120, s31;
	v22 =	vadd.s32 s1, v0;
	s0 =	sadd.s32 $0x90, s31;
	s1 =	sadd.s32 $0xF0, s31;
	v23 =	vmovc v10;
	v25 =	vshll.u32 v12, v1;
	v14 =	vshrl.u32 v16, $0x7;
	[tilespmem:s29+$0xFFFFFFC0] =	vst v5;
	v5 =	vld.idx.msk [tilespmem:v18+s2+$0x0], $0xffff  }
.Ltmp6:
0x169: {  	v16 =	vadd.s32 s4, v0;
	s4 =	sadd.s32 $0x150, s31;
	v24 =	vmovc v11;
	v18 =	vbroadcast v25, $0x0;
	v10 =	vshll.u32 v14, v1;
	v14 =	vld.idx.msk [tilespmem:v19+s2+$0x0], $0xffff;
	[tilespmem:s29+$0xFFFFFFD0] =	vst v3;
	(pc) =	sbr.rel @p0 .LBB2_14-.Ltmp6, $4  }
0x16a: {  	v17 =	vadd.s32 s0, v0;
	v19 =	vbroadcast v10, $0x0;
	v10 =	vld.idx.msk [tilespmem:v7+s2+$0x0], $0xffff;
	v7 =	vadd.s32 s1, v0;
	[tilespmem:s29+$0xFFFFFFE0] =	vst v4;
	v12 =	vmovc v15  }
0x16b: {  	v25 =	vadd.s32 s4, v0;
	v3 =	vmovc v13;
	v18 =	vor.u32 v0, v18;
	v11 =	vld.idx.msk [tilespmem:v8+s2+$0x0], $0xffff;
	v8 =	vadd.s32 s5, v0;
	[tilespmem:s29+$0xFFFFFFF0] =	vst v6  }
0x16c: {  	v4 =	vmov v21;
	v19 =	vor.u32 v2, v19;
	v15 =	vld.idx.msk [tilespmem:v9+s2+$0x0], $0xffff;
	[tilespmem:s29+$0x10] =	vst v23;
	v9 =	vmov v25  }
0x16d: {  	s31 =	sadd.s32 $0x180, s31;
	v6 =	vmov v20;
	v13 =	vld.idx.msk [tilespmem:v22+s2+$0x0], $0xffff;
	[tilespmem:s29+$0x20] =	vst v24  }
0x16e: {  	[tilespmem:s29+$0x30] =	vst v12;
	s0 =	sadd.s32 $0x80, s29  }
0x16f: {  	[tilespmem:s0+$0x0] =	vst v14  }
0x170: {  	[tilespmem:s0+$0xFFFFFFC0] =	vst v5  }
0x171: {  	[tilespmem:s0+$0xFFFFFFD0] =	vst v3  }
0x172: {  	[tilespmem:s0+$0xFFFFFFE0] =	vst v4  }
0x173: {  	v60 =	vld.idx.msk [tilespmem:v18+s2+$0x0], $0xffff;
	[tilespmem:s0+$0xFFFFFFF0] =	vst v6  }
0x174: {  	v3 =	vld.idx.msk [tilespmem:v19+s2+$0x0], $0xffff;
	[tilespmem:s0+$0x10] =	vst v10  }
0x175: {  	v61 =	vld.idx.msk [tilespmem:v16+s2+$0x0], $0xffff;
	[tilespmem:s0+$0x20] =	vst v11  }
0x176: {  	v62 =	vld.idx.msk [tilespmem:v17+s2+$0x0], $0xffff;
	[tilespmem:s0+$0x30] =	vst v15;
	s0 =	sadd.s32 $0x80, s0  }
0x177: {  	v7 =	vld.idx.msk [tilespmem:v7+s2+$0x0], $0xffff;
	[tilespmem:s0+$0xFFFFFFD0] =	vst v13  }
0x178: {  	v63 =	vld.idx.msk [tilespmem:v9+s2+$0x0], $0xffff;
	[tilespmem:s0+$0xFFFFFFC0] =	vst v60  }
0x179: {  	[tilespmem:s0+$0x0] =	vst v3;
	v3 =	vld.idx.msk [tilespmem:v8+s2+$0x0], $0xffff  }
0x17a: {  	[tilespmem:s0+$0xFFFFFFE0] =	vst v61  }
0x17b: {  	[tilespmem:s0+$0xFFFFFFF0] =	vst v62  }
0x17c: {  	[tilespmem:s0+$0x10] =	vst v7  }
0x17d: {  	[tilespmem:s0+$0x30] =	vst v63  }
0x17e: {  	s28 =	sadd.s32 $0x1, s28;
	[tilespmem:s0+$0x20] =	vst v3  }
0x17f: {  	[hbm4b:s17+s19] =	stream.strided.scatter [tilespmem:s22], [sflag:$0x3], $0xC80, s20, s19, $0x38;
	[tilespmem:$0x1F400] =	vst v63  }
0x180: {  	p0 =	sne.s32 s28, s18;
	_ =	swait.ge [sflag:s25], $0xC80  }
.Ltmp7:
0x181: {  	[sflag:s25] =	ssyncset.done $0x0;
	(pc) =	sbr.rel @p0 .LBB2_1-.Ltmp7, $4  }
0x182: {  	[sflag:s25] =	ssyncadd.s32 $0xFFFFF380  }
0x183: {  	_ =	swait.ge [sflag:s26], $0x3200  }
0x184: {  	[sflag:s26] =	ssyncset.done $0x0  }
0x185: {  	[sflag:s26] =	ssyncadd.s32 $0xFFFFCE00  }
0x186: {  	_ =	sfence.sel $0x180000  }
0x187: {  	[bflag:$0x0] =	sbarrier.arrive $0xFFFF  }
0x188: {  	_ =	strace $0x90000047  }
0x189: {  	s0 =	stileid.u32;
	[bflag:$0x2] =	sbarrier.arrive $0xFFFF  }
0x18a: {  	p0 =	sne.s32 s0, $0x0;
	s0 =	rddreg [dreg:$0x2]  }
0x18b: {  	s0 =	sadd.s32 @!p0 $0x100000, s0  }
0x18c: {  	[sflag:s0] =	ssyncadd.tile.s32 @!p0 $0x1;
	_ =	shalt  }
.Lfunc_end2:
_tile_overlayer_lowered:
.L_overlay_start_2:
0x18d: {  	(tag) =	ssettag $0x2  }
0x18e: {  	s0 =	rddreg [dreg:$0x0];
	s2 =	stileid.u32  }
0x18f: {  	s1 =	rddreg [dreg:$0x1];
	p0 =	sne.s32 s2, $0x0  }
0x190: {  	s3 =	rddreg [dreg:$0x2];
	[bflag:$0x3] =	sbarrier.arrive $0xFFFF;
	s2 =	simm.s32 @!p0 $0x1C05  }
0x191: {  	[timem:s3], [sflag:s2] =	dma.local @!p0 [hbm:s0], s1  }
0x192: {  	s0 =	simm.s32 @!p0 $0x5  }
0x193: {  	_ =	swait.ge @!p0 [sflag:s0], s1  }
0x194: {  	s1 =	ssub.s32 @!p0 $0x0, s1;
	[sflag:s0] =	ssyncset.done @!p0 $0x0  }
0x195: {  	[sflag:s0] =	ssyncadd.s32 @!p0 s1  }
0x196: {  	[bflag:$0x3] =	sbarrier.arrive $0xFFFF  }
0x197: {  	_ =	shalt  }

</sc_bundles>
